<compile_context>
chip_gen: v7x
topology: tpu7x:2x2x1
jax: 0.10.2.dev20260603
libtpu: 0.0.44.dev20260713+nightly
codegen_flags: <defaults>
</compile_context>

<pallas_src>
import functools

import jax
import jax.numpy as jnp
from jax import lax
from jax.experimental import pallas as pl
from jax.experimental.pallas import tpu as pltpu
from jax.experimental.pallas import tpu_sc as plsc

_WORLD_SIZE = 4
_RANK = 0
_MARGIN = 1.0
_CHUNK = 512


def _mine_idx_kernel(b_ref, pos_ref, neg_ref, min_ref, chunk_ref):
    n, d = b_ref.shape
    m = pos_ref.shape[0] * pos_ref.shape[1]
    a = b_ref[:m, :]
    n_chunks = n // _CHUNK
    n_pos_chunks = m // _CHUNK
    a_m2 = a * (-2.0)
    diag_mask = (lax.broadcasted_iota(jnp.int32, (_CHUNK, _CHUNK), 0) // 16
                 == lax.broadcasted_iota(jnp.int32, (_CHUNK, _CHUNK), 1) // 16)
    lane512 = lax.broadcasted_iota(jnp.int32, (_CHUNK, _CHUNK), 1)

    def upd_region(t_region, c, lo, hi):
        if isinstance(c, int) and c == 0:
            min_ref[lo:hi, :] = t_region
            return
        old = min_ref[lo:hi, :]
        upd = t_region < old
        min_ref[lo:hi, :] = jnp.where(upd, t_region, old)
        chunk_ref[lo:hi, :] = jnp.where(upd, c, chunk_ref[lo:hi, :])

    ones_row = jnp.ones((1, d), dtype=a.dtype)

    def dist_chunk(c):
        bchunk = b_ref[pl.ds(c * _CHUNK, _CHUNK), :]
        b2 = lax.dot_general(ones_row, bchunk * bchunk,
                             dimension_numbers=(((1,), (1,)), ((), ())),
                             preferred_element_type=jnp.float32)
        return lax.dot_general(a_m2, bchunk,
                               dimension_numbers=(((1,), (1,)), ((), ())),
                               preferred_element_type=jnp.float32) + b2

    chunk_ref[...] = jnp.zeros((m, _CHUNK), jnp.int32)
    for c in range(n_pos_chunks):
        t = dist_chunk(c)
        lo, hi = c * _CHUNK, (c + 1) * _CHUNK
        slab = lax.slice(t, (lo, 0), (hi, _CHUNK))
        masked = jnp.where(diag_mask, slab, -jnp.inf)
        vmax = jnp.max(masked, axis=1, keepdims=True)
        pos_j = jnp.min(jnp.where(masked == vmax, lane512, n),
                        axis=1, keepdims=True)
        pos_ref[c * (_CHUNK // 128):(c + 1) * (_CHUNK // 128), :] = (
            (pos_j + c * _CHUNK).reshape(_CHUNK // 128, 128))
        slab_neg = jnp.where(diag_mask, jnp.inf, slab)
        if c > 0:
            upd_region(lax.slice(t, (0, 0), (lo, _CHUNK)), c, 0, lo)
        upd_region(slab_neg, c, lo, hi)
        if hi < m:
            upd_region(lax.slice(t, (hi, 0), (m, _CHUNK)), c, hi, m)

    def neg_body(c, _):
        upd_region(dist_chunk(c), c, 0, m)
        return _

    lax.fori_loop(n_pos_chunks, n_chunks, neg_body, 0)

    run_min = min_ref[...]
    lane = lax.broadcasted_iota(jnp.int32, (m, _CHUNK), 1)
    vmin = jnp.min(run_min, axis=1, keepdims=True)
    j_star = jnp.min(jnp.where(run_min == vmin, lane, n),
                     axis=1, keepdims=True)
    c_star = jnp.sum(jnp.where(lane == j_star, chunk_ref[...], 0),
                     axis=1, keepdims=True)
    neg_ref[...] = (c_star * _CHUNK + j_star).reshape(m // 128, 128)


def _sqrt16(x):
    i = plsc.bitcast(x, jnp.int32)
    y = plsc.bitcast(jnp.int32(0x1FBD1DF5) + (i >> 1), jnp.float32)
    for _ in range(4):
        y = 0.5 * (y + x / y)
    return y


@functools.cache
def _make_sc_loss(m, d, b_per_w, nc):
    mesh = plsc.VectorSubcoreMesh(core_axis_name="c", subcore_axis_name="s")

    @functools.partial(
        pl.kernel, mesh=mesh,
        compiler_params=pltpu.CompilerParams(needs_layout_passes=False),
        out_type=jax.ShapeDtypeStruct((m,), jnp.float32),
        scratch_types=[
            pltpu.VMEM((b_per_w,), jnp.int32),
            pltpu.VMEM((b_per_w,), jnp.int32),
            pltpu.VMEM((b_per_w, d), jnp.float32),
            pltpu.VMEM((b_per_w, d), jnp.float32),
            pltpu.VMEM((b_per_w, d), jnp.float32),
            pltpu.VMEM((b_per_w,), jnp.float32),
            pltpu.SemaphoreType.DMA,
            pltpu.SemaphoreType.DMA,
        ],
    )
    def sc_loss(all_hbm, pidx_hbm, nidx_hbm, out_hbm,
                pidx_v, nidx_v, a_v, p_v, n_v, loss_v, sem1, sem2):
        wid = lax.axis_index("s") * nc + lax.axis_index("c")
        base = wid * b_per_w
        with jax.named_scope("idx_dma"):
            pltpu.sync_copy(pidx_hbm.at[pl.ds(base, b_per_w)], pidx_v)
            pltpu.sync_copy(nidx_hbm.at[pl.ds(base, b_per_w)], nidx_v)
        with jax.named_scope("gather_dma"):
            cp = pltpu.async_copy(all_hbm.at[pidx_v], p_v, sem1)
            cn = pltpu.async_copy(all_hbm.at[nidx_v], n_v, sem2)
            pltpu.sync_copy(all_hbm.at[pl.ds(base, b_per_w)], a_v)
            cp.wait()
            cn.wait()

        lanes = lax.iota(jnp.int32, 16)
        nb = b_per_w // 16
        rows_b = [b * 16 + lanes for b in range(nb)]
        zeros = jnp.zeros((16,), jnp.float32)

        def body(j, carry):
            cols = (lanes + j) & (d - 1)
            out = []
            for b in range(nb):
                ap2, an2 = carry[b]
                va = plsc.load_gather(a_v, [rows_b[b], cols])
                vp = plsc.load_gather(p_v, [rows_b[b], cols])
                vn = plsc.load_gather(n_v, [rows_b[b], cols])
                dp = va - vp
                dn = va - vn
                out.append((ap2 + dp * dp, an2 + dn * dn))
            return tuple(out)

        with jax.named_scope("compute"):
            acc = lax.fori_loop(0, d, body,
                                tuple((zeros, zeros) for _ in range(nb)))
            for b in range(nb):
                ap2, an2 = acc[b]
                ap = _sqrt16(ap2 + 1e-12)
                an = _sqrt16(an2 + 1e-12)
                loss_v[pl.ds(b * 16, 16)] = jnp.maximum(ap - an + _MARGIN, 0.0)

        with jax.named_scope("out_dma"):
            pltpu.sync_copy(loss_v, out_hbm.at[pl.ds(base, b_per_w)])

    return sc_loss


@jax.jit
def kernel(batch):
    cluster_amnt, cluster_size, d = batch.shape
    base = cluster_amnt // _WORLD_SIZE
    rem = cluster_amnt % _WORLD_SIZE
    start = _RANK * base + min(_RANK, rem)
    cnt = base + (1 if _RANK < rem else 0)
    all_embeds = batch.reshape(-1, d)
    m = cnt * cluster_size
    assert start == 0, "kernel specialized for rank 0 (matches reference)"
    pos_idx, neg_idx = pl.pallas_call(
        _mine_idx_kernel,
        out_shape=(jax.ShapeDtypeStruct((m // 128, 128), jnp.int32),
                   jax.ShapeDtypeStruct((m // 128, 128), jnp.int32)),
        scratch_shapes=[pltpu.VMEM((m, _CHUNK), jnp.float32),
                        pltpu.VMEM((m, _CHUNK), jnp.int32)],
    )(all_embeds)

    info = plsc.get_sparse_core_info()
    nw = info.num_cores * info.num_subcores
    sc_loss = _make_sc_loss(m, d, m // nw, info.num_cores)
    return sc_loss(all_embeds, pos_idx.reshape(m), neg_idx.reshape(m))

# --- scband reference (transcript-rebuilt; emitter-appended) ---
"""Pipeline reference for scband-interval-cluster-triplet-ft-48258252538457 (READ-ONLY COPY).

The authoritative reference and input builder live on the scoring server;
editing this copy changes nothing except your own understanding.
"""

import jax, jax.numpy as jnp
import numpy as np

WORLD_SIZE = 4
RANK = 0
MARGIN = 1.0

def _cdist(a, b):
    a2 = jnp.sum(a * a, axis=1, keepdims=True)
    b2 = jnp.sum(b * b, axis=1, keepdims=True)
    d2 = a2 + b2.T - 2.0 * (a @ b.T)
    return jnp.sqrt(jnp.maximum(d2, 1e-12))

def setup_inputs(seed: int = 0) -> dict:
    key = jax.random.key(seed)
    batch = jax.random.normal(key, (512, 16, 256), dtype=jnp.float32)
    return {"batch": batch}

def reference(batch):
    cluster_amnt, cluster_size, d = batch.shape
    all_embeds = batch.reshape(-1, d)
    all_labels = jnp.repeat(jnp.arange(cluster_amnt), cluster_size)
    # partition_integer(cluster_amnt, world_size) -> rank subset
    base = cluster_amnt // WORLD_SIZE
    rem = cluster_amnt % WORLD_SIZE
    start = RANK * base + min(RANK, rem)
    cnt = base + (1 if RANK < rem else 0)
    my_embeds = batch[start:start + cnt].reshape(-1, d)
    my_labels = all_labels[start * cluster_size:(start + cnt) * cluster_size]
    # hard triplet mining
    dist = _cdist(my_embeds, all_embeds)
    pos_mask = my_labels[:, None] == all_labels[None, :]
    pos_dist = jnp.where(pos_mask, dist, -1.0)
    pos_idx = jnp.argmax(pos_dist, axis=1)
    positives = jnp.take(all_embeds, pos_idx, axis=0)
    neg_dist = jnp.where(pos_mask, jnp.inf, dist)
    neg_idx = jnp.argmin(neg_dist, axis=1)
    negatives = jnp.take(all_embeds, neg_idx, axis=0)
    # triplet margin loss (elementwise, as Loss3 returning per-triplet losses)
    ap = jnp.sqrt(jnp.sum((my_embeds - positives) ** 2, axis=1) + 1e-12)
    an = jnp.sqrt(jnp.sum((my_embeds - negatives) ** 2, axis=1) + 1e-12)
    loss = jnp.maximum(ap - an + MARGIN, 0.0)
    return loss

if __name__ == "__main__":
    import jax
    _d = setup_inputs()
    print(jax.jit(kernel)(*tuple(_d.values())))

</pallas_src>

<mosaic_0001>
#map = affine_map<(d0, d1) -> (0, 0)>
#map1 = affine_map<(d0, d1) -> (0)>
module attributes {stable_mosaic.version = 14 : i64} {
  func.func @sc_loss(%arg0: i32, %arg1: i32, %arg2: memref<8192x256xf32, #tpu.memory_space<hbm>>, %arg3: memref<2048xi32, #tpu.memory_space<hbm>>, %arg4: memref<2048xi32, #tpu.memory_space<hbm>>, %arg5: memref<2048xf32, #tpu.memory_space<hbm>>, %arg6: memref<64xi32, #tpu.memory_space<vmem>>, %arg7: memref<64xi32, #tpu.memory_space<vmem>>, %arg8: memref<64x256xf32, #tpu.memory_space<vmem>>, %arg9: memref<64x256xf32, #tpu.memory_space<vmem>>, %arg10: memref<64x256xf32, #tpu.memory_space<vmem>>, %arg11: memref<64xf32, #tpu.memory_space<vmem>>, %arg12: memref<!tpu.dma_semaphore, #tpu.memory_space<semaphore_mem>>, %arg13: memref<!tpu.dma_semaphore, #tpu.memory_space<semaphore_mem>>) attributes {dimension_semantics = [#tpu.dimension_semantics<core_parallel>, #tpu.dimension_semantics<subcore_parallel>], iteration_bounds = array<i64: 2, 16>, scalar_prefetch = 0 : i64, scratch_operands = 8 : i64, tpu.core_type = #tpu.core_type<sc_vector_subcore>, window_params = [{transform_indices = #map}, {transform_indices = #map1}, {transform_indices = #map1}, {transform_indices = #map1}]} {
    %mul3A = arith.constant 2 : i32
    %mul3A_0 = arith.muli %arg1, %mul3A : i32
    %add3A = arith.addi %mul3A_0, %arg0 : i32
    %mul3A_1 = arith.constant 64 : i32
    %mul3A_2 = arith.muli %add3A, %mul3A_1 : i32
    "tpu.trace_start"() <{level = 10 : i32, message = "idx_dma"}> : () -> ()
    "tpu.region"() ({
      %run_scoped3A = tpu.sem_alloc : memref<!tpu.dma_semaphore, #tpu.memory_space<semaphore_mem>>
      %dma_start3A_309 = tpu.memref_slice %arg3[%mul3A_2] : memref<2048xi32, #tpu.memory_space<hbm>> -> memref<64xi32, #tpu.memory_space<hbm>>
      %dma_start3A_310 = tpu.memref_slice %arg3[%mul3A_2] : memref<2048xi32, #tpu.memory_space<hbm>> -> memref<64xi32, #tpu.memory_space<hbm>>
      tpu.enqueue_dma source(%dma_start3A_310 : memref<64xi32, #tpu.memory_space<hbm>>) target(%arg6 : memref<64xi32, #tpu.memory_space<vmem>>) target_semaphore(%run_scoped3A : memref<!tpu.dma_semaphore, #tpu.memory_space<semaphore_mem>>)
      %dma_wait3A_311 = tpu.memref_slice %arg3[%mul3A_2] : memref<2048xi32, #tpu.memory_space<hbm>> -> memref<64xi32, #tpu.memory_space<hbm>>
      %dma_wait3A_312 = tpu.memref_slice %arg3[%mul3A_2] : memref<2048xi32, #tpu.memory_space<hbm>> -> memref<64xi32, #tpu.memory_space<hbm>>
      tpu.wait_dma2 semaphore(%run_scoped3A : memref<!tpu.dma_semaphore, #tpu.memory_space<semaphore_mem>>) src(%dma_wait3A_312 : memref<64xi32, #tpu.memory_space<hbm>>) dst(%arg6 : memref<64xi32, #tpu.memory_space<vmem>>)
      tpu.yield
    }) : () -> ()
    "tpu.region"() ({
      %run_scoped3A = tpu.sem_alloc : memref<!tpu.dma_semaphore, #tpu.memory_space<semaphore_mem>>
      %dma_start3A_309 = tpu.memref_slice %arg4[%mul3A_2] : memref<2048xi32, #tpu.memory_space<hbm>> -> memref<64xi32, #tpu.memory_space<hbm>>
      %dma_start3A_310 = tpu.memref_slice %arg4[%mul3A_2] : memref<2048xi32, #tpu.memory_space<hbm>> -> memref<64xi32, #tpu.memory_space<hbm>>
      tpu.enqueue_dma source(%dma_start3A_310 : memref<64xi32, #tpu.memory_space<hbm>>) target(%arg7 : memref<64xi32, #tpu.memory_space<vmem>>) target_semaphore(%run_scoped3A : memref<!tpu.dma_semaphore, #tpu.memory_space<semaphore_mem>>)
      %dma_wait3A_311 = tpu.memref_slice %arg4[%mul3A_2] : memref<2048xi32, #tpu.memory_space<hbm>> -> memref<64xi32, #tpu.memory_space<hbm>>
      %dma_wait3A_312 = tpu.memref_slice %arg4[%mul3A_2] : memref<2048xi32, #tpu.memory_space<hbm>> -> memref<64xi32, #tpu.memory_space<hbm>>
      tpu.wait_dma2 semaphore(%run_scoped3A : memref<!tpu.dma_semaphore, #tpu.memory_space<semaphore_mem>>) src(%dma_wait3A_312 : memref<64xi32, #tpu.memory_space<hbm>>) dst(%arg7 : memref<64xi32, #tpu.memory_space<vmem>>)
      tpu.yield
    }) : () -> ()
    "tpu.trace_stop"() : () -> ()
    "tpu.trace_start"() <{level = 10 : i32, message = "gather_dma"}> : () -> ()
    %dma_start3A = arith.constant 0 : i32
    %dma_start3A_3 = arith.constant 0 : i32
    %dma_start3A_4 = tpu.memref_slice %arg2[%dma_start3A, %dma_start3A_3] : memref<8192x256xf32, #tpu.memory_space<hbm>> -> memref<8192x256xf32, #tpu.memory_space<hbm>>
    tpu.enqueue_indirect_dma source(%dma_start3A_4 : memref<8192x256xf32, #tpu.memory_space<hbm>>) target(%arg9 : memref<64x256xf32, #tpu.memory_space<vmem>>) offsets(%arg6 : memref<64xi32, #tpu.memory_space<vmem>>) semaphore(%arg12 : memref<!tpu.dma_semaphore, #tpu.memory_space<semaphore_mem>>)
    %dma_start3A_5 = arith.constant 0 : i32
    %dma_start3A_6 = arith.constant 0 : i32
    %dma_start3A_7 = tpu.memref_slice %arg2[%dma_start3A_5, %dma_start3A_6] : memref<8192x256xf32, #tpu.memory_space<hbm>> -> memref<8192x256xf32, #tpu.memory_space<hbm>>
    tpu.enqueue_indirect_dma source(%dma_start3A_7 : memref<8192x256xf32, #tpu.memory_space<hbm>>) target(%arg10 : memref<64x256xf32, #tpu.memory_space<vmem>>) offsets(%arg7 : memref<64xi32, #tpu.memory_space<vmem>>) semaphore(%arg13 : memref<!tpu.dma_semaphore, #tpu.memory_space<semaphore_mem>>)
    "tpu.region"() ({
      %run_scoped3A = tpu.sem_alloc : memref<!tpu.dma_semaphore, #tpu.memory_space<semaphore_mem>>
      %dma_start3A_309 = arith.constant 0 : i32
      %dma_start3A_310 = tpu.memref_slice %arg2[%mul3A_2, %dma_start3A_309] : memref<8192x256xf32, #tpu.memory_space<hbm>> -> memref<64x256xf32, #tpu.memory_space<hbm>>
      %dma_start3A_311 = arith.constant 0 : i32
      %dma_start3A_312 = tpu.memref_slice %arg2[%mul3A_2, %dma_start3A_311] : memref<8192x256xf32, #tpu.memory_space<hbm>> -> memref<64x256xf32, #tpu.memory_space<hbm>>
      tpu.enqueue_dma source(%dma_start3A_312 : memref<64x256xf32, #tpu.memory_space<hbm>>) target(%arg8 : memref<64x256xf32, #tpu.memory_space<vmem>>) target_semaphore(%run_scoped3A : memref<!tpu.dma_semaphore, #tpu.memory_space<semaphore_mem>>)
      %dma_wait3A_313 = arith.constant 0 : i32
      %dma_wait3A_314 = tpu.memref_slice %arg2[%mul3A_2, %dma_wait3A_313] : memref<8192x256xf32, #tpu.memory_space<hbm>> -> memref<64x256xf32, #tpu.memory_space<hbm>>
      %dma_wait3A_315 = arith.constant 0 : i32
      %dma_wait3A_316 = tpu.memref_slice %arg2[%mul3A_2, %dma_wait3A_315] : memref<8192x256xf32, #tpu.memory_space<hbm>> -> memref<64x256xf32, #tpu.memory_space<hbm>>
      tpu.wait_dma2 semaphore(%run_scoped3A : memref<!tpu.dma_semaphore, #tpu.memory_space<semaphore_mem>>) src(%dma_wait3A_316 : memref<64x256xf32, #tpu.memory_space<hbm>>) dst(%arg8 : memref<64x256xf32, #tpu.memory_space<vmem>>)
      tpu.yield
    }) : () -> ()
    %dma_wait3A = arith.constant 0 : i32
    %dma_wait3A_8 = arith.constant 0 : i32
    %dma_wait3A_9 = tpu.memref_slice %arg2[%dma_wait3A, %dma_wait3A_8] : memref<8192x256xf32, #tpu.memory_space<hbm>> -> memref<8192x256xf32, #tpu.memory_space<hbm>>
    tpu.wait_indirect_dma semaphore(%arg12 : memref<!tpu.dma_semaphore, #tpu.memory_space<semaphore_mem>>) src(%dma_wait3A_9 : memref<8192x256xf32, #tpu.memory_space<hbm>>) dst(%arg9 : memref<64x256xf32, #tpu.memory_space<vmem>>)
    %dma_wait3A_10 = arith.constant 0 : i32
    %dma_wait3A_11 = arith.constant 0 : i32
    %dma_wait3A_12 = tpu.memref_slice %arg2[%dma_wait3A_10, %dma_wait3A_11] : memref<8192x256xf32, #tpu.memory_space<hbm>> -> memref<8192x256xf32, #tpu.memory_space<hbm>>
    tpu.wait_indirect_dma semaphore(%arg13 : memref<!tpu.dma_semaphore, #tpu.memory_space<semaphore_mem>>) src(%dma_wait3A_12 : memref<8192x256xf32, #tpu.memory_space<hbm>>) dst(%arg10 : memref<64x256xf32, #tpu.memory_space<vmem>>)
    "tpu.trace_stop"() : () -> ()
    %iota3A = tpu.iota {dimensions = array<i32: 0>} : vector<16xi32>
    %add3A_13 = arith.constant 0 : i32
    %add3A_14 = vector.broadcast %add3A_13 : i32 to vector<16xi32>
    %add3A_15 = arith.addi %add3A_14, %iota3A : vector<16xi32>
    %add3A_16 = arith.constant 16 : i32
    %add3A_17 = vector.broadcast %add3A_16 : i32 to vector<16xi32>
    %add3A_18 = arith.addi %add3A_17, %iota3A : vector<16xi32>
    %add3A_19 = arith.constant 32 : i32
    %add3A_20 = vector.broadcast %add3A_19 : i32 to vector<16xi32>
    %add3A_21 = arith.addi %add3A_20, %iota3A : vector<16xi32>
    %add3A_22 = arith.constant 48 : i32
    %add3A_23 = vector.broadcast %add3A_22 : i32 to vector<16xi32>
    %add3A_24 = arith.addi %add3A_23, %iota3A : vector<16xi32>
    %broadcast_in_dim3A = arith.constant 0.000000e+00 : f32
    %broadcast_in_dim3A_25 = vector.broadcast %broadcast_in_dim3A : f32 to vector<16xf32>
    "tpu.trace_start"() <{level = 10 : i32, message = "compute"}> : () -> ()
    %scan3A = arith.constant 0 : i32
    %scan3A_26 = arith.constant 256 : i32
    %scan3A_27 = arith.addi %scan3A, %scan3A_26 : i32
    %scan3A_28 = arith.constant 1 : i32
    %scan3A_29:8 = scf.for %scan3A_309 = %scan3A to %scan3A_27 step %scan3A_28 iter_args(%scan3A_310 = %broadcast_in_dim3A_25, %scan3A_311 = %broadcast_in_dim3A_25, %scan3A_312 = %broadcast_in_dim3A_25, %scan3A_313 = %broadcast_in_dim3A_25, %scan3A_314 = %broadcast_in_dim3A_25, %scan3A_315 = %broadcast_in_dim3A_25, %scan3A_316 = %broadcast_in_dim3A_25, %scan3A_317 = %broadcast_in_dim3A_25) -> (vector<16xf32>, vector<16xf32>, vector<16xf32>, vector<16xf32>, vector<16xf32>, vector<16xf32>, vector<16xf32>, vector<16xf32>)  : i32 {
      %add3A_318 = vector.broadcast %scan3A_309 : i32 to vector<16xi32>
      %add3A_319 = arith.addi %iota3A, %add3A_318 : vector<16xi32>
      %and3A = arith.constant 255 : i32
      %and3A_320 = vector.broadcast %and3A : i32 to vector<16xi32>
      %and3A_321 = arith.andi %add3A_319, %and3A_320 : vector<16xi32>
      %gather3A = tpu.vector_load_idx %arg8[%add3A_15, %and3A_321] : memref<64x256xf32, #tpu.memory_space<vmem>>[vector<16xi32>, vector<16xi32>], vector<16xf32>,
      %gather3A_322 = tpu.vector_load_idx %arg9[%add3A_15, %and3A_321] : memref<64x256xf32, #tpu.memory_space<vmem>>[vector<16xi32>, vector<16xi32>], vector<16xf32>,
      %gather3A_323 = tpu.vector_load_idx %arg10[%add3A_15, %and3A_321] : memref<64x256xf32, #tpu.memory_space<vmem>>[vector<16xi32>, vector<16xi32>], vector<16xf32>,
      %sub3A_324 = arith.subf %gather3A, %gather3A_322 : vector<16xf32>
      %sub3A_325 = arith.subf %gather3A, %gather3A_323 : vector<16xf32>
      %mul3A_326 = arith.mulf %sub3A_324, %sub3A_324 : vector<16xf32>
      %add3A_327 = arith.addf %scan3A_310, %mul3A_326 : vector<16xf32>
      %mul3A_328 = arith.mulf %sub3A_325, %sub3A_325 : vector<16xf32>
      %add3A_329 = arith.addf %scan3A_311, %mul3A_328 : vector<16xf32>
      %gather3A_330 = tpu.vector_load_idx %arg8[%add3A_18, %and3A_321] : memref<64x256xf32, #tpu.memory_space<vmem>>[vector<16xi32>, vector<16xi32>], vector<16xf32>,
      %gather3A_331 = tpu.vector_load_idx %arg9[%add3A_18, %and3A_321] : memref<64x256xf32, #tpu.memory_space<vmem>>[vector<16xi32>, vector<16xi32>], vector<16xf32>,
      %gather3A_332 = tpu.vector_load_idx %arg10[%add3A_18, %and3A_321] : memref<64x256xf32, #tpu.memory_space<vmem>>[vector<16xi32>, vector<16xi32>], vector<16xf32>,
      %sub3A_333 = arith.subf %gather3A_330, %gather3A_331 : vector<16xf32>
      %sub3A_334 = arith.subf %gather3A_330, %gather3A_332 : vector<16xf32>
      %mul3A_335 = arith.mulf %sub3A_333, %sub3A_333 : vector<16xf32>
      %add3A_336 = arith.addf %scan3A_312, %mul3A_335 : vector<16xf32>
      %mul3A_337 = arith.mulf %sub3A_334, %sub3A_334 : vector<16xf32>
      %add3A_338 = arith.addf %scan3A_313, %mul3A_337 : vector<16xf32>
      %gather3A_339 = tpu.vector_load_idx %arg8[%add3A_21, %and3A_321] : memref<64x256xf32, #tpu.memory_space<vmem>>[vector<16xi32>, vector<16xi32>], vector<16xf32>,
      %gather3A_340 = tpu.vector_load_idx %arg9[%add3A_21, %and3A_321] : memref<64x256xf32, #tpu.memory_space<vmem>>[vector<16xi32>, vector<16xi32>], vector<16xf32>,
      %gather3A_341 = tpu.vector_load_idx %arg10[%add3A_21, %and3A_321] : memref<64x256xf32, #tpu.memory_space<vmem>>[vector<16xi32>, vector<16xi32>], vector<16xf32>,
      %sub3A_342 = arith.subf %gather3A_339, %gather3A_340 : vector<16xf32>
      %sub3A_343 = arith.subf %gather3A_339, %gather3A_341 : vector<16xf32>
      %mul3A_344 = arith.mulf %sub3A_342, %sub3A_342 : vector<16xf32>
      %add3A_345 = arith.addf %scan3A_314, %mul3A_344 : vector<16xf32>
      %mul3A_346 = arith.mulf %sub3A_343, %sub3A_343 : vector<16xf32>
      %add3A_347 = arith.addf %scan3A_315, %mul3A_346 : vector<16xf32>
      %gather3A_348 = tpu.vector_load_idx %arg8[%add3A_24, %and3A_321] : memref<64x256xf32, #tpu.memory_space<vmem>>[vector<16xi32>, vector<16xi32>], vector<16xf32>,
      %gather3A_349 = tpu.vector_load_idx %arg9[%add3A_24, %and3A_321] : memref<64x256xf32, #tpu.memory_space<vmem>>[vector<16xi32>, vector<16xi32>], vector<16xf32>,
      %gather3A_350 = tpu.vector_load_idx %arg10[%add3A_24, %and3A_321] : memref<64x256xf32, #tpu.memory_space<vmem>>[vector<16xi32>, vector<16xi32>], vector<16xf32>,
      %sub3A_351 = arith.subf %gather3A_348, %gather3A_349 : vector<16xf32>
      %sub3A_352 = arith.subf %gather3A_348, %gather3A_350 : vector<16xf32>
      %mul3A_353 = arith.mulf %sub3A_351, %sub3A_351 : vector<16xf32>
      %add3A_354 = arith.addf %scan3A_316, %mul3A_353 : vector<16xf32>
      %mul3A_355 = arith.mulf %sub3A_352, %sub3A_352 : vector<16xf32>
      %add3A_356 = arith.addf %scan3A_317, %mul3A_355 : vector<16xf32>
      scf.yield %add3A_327, %add3A_329, %add3A_336, %add3A_338, %add3A_345, %add3A_347, %add3A_354, %add3A_356 : vector<16xf32>, vector<16xf32>, vector<16xf32>, vector<16xf32>, vector<16xf32>, vector<16xf32>, vector<16xf32>, vector<16xf32>
    }
    %scan3A_30 = arith.constant 256 : i32
    %add3A_31 = arith.constant 9.99999996E-13 : f32
    %add3A_32 = vector.broadcast %add3A_31 : f32 to vector<16xf32>
    %add3A_33 = arith.addf %scan3A_29#0, %add3A_32 : vector<16xf32>
    %bitcast3A = vector.bitcast %add3A_33 : vector<16xf32> to vector<16xi32>
    %shift_right_arithmetic3A = arith.constant 1 : i32
    %shift_right_arithmetic3A_34 = vector.broadcast %shift_right_arithmetic3A : i32 to vector<16xi32>
    %shift_right_arithmetic3A_35 = arith.shrsi %bitcast3A, %shift_right_arithmetic3A_34 : vector<16xi32>
    %add3A_36 = arith.constant 532487669 : i32
    %add3A_37 = vector.broadcast %add3A_36 : i32 to vector<16xi32>
    %add3A_38 = arith.addi %add3A_37, %shift_right_arithmetic3A_35 : vector<16xi32>
    %bitcast3A_39 = vector.bitcast %add3A_38 : vector<16xi32> to vector<16xf32>
    %div3A = arith.divf %add3A_33, %bitcast3A_39 : vector<16xf32>
    %add3A_40 = arith.addf %bitcast3A_39, %div3A : vector<16xf32>
    %mul3A_41 = arith.constant 5.000000e-01 : f32
    %mul3A_42 = vector.broadcast %mul3A_41 : f32 to vector<16xf32>
    %mul3A_43 = arith.mulf %mul3A_42, %add3A_40 : vector<16xf32>
    %div3A_44 = arith.divf %add3A_33, %mul3A_43 : vector<16xf32>
    %add3A_45 = arith.addf %mul3A_43, %div3A_44 : vector<16xf32>
    %mul3A_46 = arith.constant 5.000000e-01 : f32
    %mul3A_47 = vector.broadcast %mul3A_46 : f32 to vector<16xf32>
    %mul3A_48 = arith.mulf %mul3A_47, %add3A_45 : vector<16xf32>
    %div3A_49 = arith.divf %add3A_33, %mul3A_48 : vector<16xf32>
    %add3A_50 = arith.addf %mul3A_48, %div3A_49 : vector<16xf32>
    %mul3A_51 = arith.constant 5.000000e-01 : f32
    %mul3A_52 = vector.broadcast %mul3A_51 : f32 to vector<16xf32>
    %mul3A_53 = arith.mulf %mul3A_52, %add3A_50 : vector<16xf32>
    %div3A_54 = arith.divf %add3A_33, %mul3A_53 : vector<16xf32>
    %add3A_55 = arith.addf %mul3A_53, %div3A_54 : vector<16xf32>
    %mul3A_56 = arith.constant 5.000000e-01 : f32
    %mul3A_57 = vector.broadcast %mul3A_56 : f32 to vector<16xf32>
    %mul3A_58 = arith.mulf %mul3A_57, %add3A_55 : vector<16xf32>
    %add3A_59 = arith.constant 9.99999996E-13 : f32
    %add3A_60 = vector.broadcast %add3A_59 : f32 to vector<16xf32>
    %add3A_61 = arith.addf %scan3A_29#1, %add3A_60 : vector<16xf32>
    %bitcast3A_62 = vector.bitcast %add3A_61 : vector<16xf32> to vector<16xi32>
    %shift_right_arithmetic3A_63 = arith.constant 1 : i32
    %shift_right_arithmetic3A_64 = vector.broadcast %shift_right_arithmetic3A_63 : i32 to vector<16xi32>
    %shift_right_arithmetic3A_65 = arith.shrsi %bitcast3A_62, %shift_right_arithmetic3A_64 : vector<16xi32>
    %add3A_66 = arith.constant 532487669 : i32
    %add3A_67 = vector.broadcast %add3A_66 : i32 to vector<16xi32>
    %add3A_68 = arith.addi %add3A_67, %shift_right_arithmetic3A_65 : vector<16xi32>
    %bitcast3A_69 = vector.bitcast %add3A_68 : vector<16xi32> to vector<16xf32>
    %div3A_70 = arith.divf %add3A_61, %bitcast3A_69 : vector<16xf32>
    %add3A_71 = arith.addf %bitcast3A_69, %div3A_70 : vector<16xf32>
    %mul3A_72 = arith.constant 5.000000e-01 : f32
    %mul3A_73 = vector.broadcast %mul3A_72 : f32 to vector<16xf32>
    %mul3A_74 = arith.mulf %mul3A_73, %add3A_71 : vector<16xf32>
    %div3A_75 = arith.divf %add3A_61, %mul3A_74 : vector<16xf32>
    %add3A_76 = arith.addf %mul3A_74, %div3A_75 : vector<16xf32>
    %mul3A_77 = arith.constant 5.000000e-01 : f32
    %mul3A_78 = vector.broadcast %mul3A_77 : f32 to vector<16xf32>
    %mul3A_79 = arith.mulf %mul3A_78, %add3A_76 : vector<16xf32>
    %div3A_80 = arith.divf %add3A_61, %mul3A_79 : vector<16xf32>
    %add3A_81 = arith.addf %mul3A_79, %div3A_80 : vector<16xf32>
    %mul3A_82 = arith.constant 5.000000e-01 : f32
    %mul3A_83 = vector.broadcast %mul3A_82 : f32 to vector<16xf32>
    %mul3A_84 = arith.mulf %mul3A_83, %add3A_81 : vector<16xf32>
    %div3A_85 = arith.divf %add3A_61, %mul3A_84 : vector<16xf32>
    %add3A_86 = arith.addf %mul3A_84, %div3A_85 : vector<16xf32>
    %mul3A_87 = arith.constant 5.000000e-01 : f32
    %mul3A_88 = vector.broadcast %mul3A_87 : f32 to vector<16xf32>
    %mul3A_89 = arith.mulf %mul3A_88, %add3A_86 : vector<16xf32>
    %sub3A = arith.subf %mul3A_58, %mul3A_89 : vector<16xf32>
    %add3A_90 = arith.constant 1.000000e+00 : f32
    %add3A_91 = vector.broadcast %add3A_90 : f32 to vector<16xf32>
    %add3A_92 = arith.addf %sub3A, %add3A_91 : vector<16xf32>
    %max3A = arith.constant 0.000000e+00 : f32
    %max3A_93 = vector.broadcast %max3A : f32 to vector<16xf32>
    %max3A_94 = arith.maximumf %add3A_92, %max3A_93 : vector<16xf32>
    %swap3A = arith.constant 0 : index
    %swap3A_95 = tpu.vector_load %arg11[%swap3A] {strides = array<i32>} : memref<64xf32, #tpu.memory_space<vmem>>, vector<16xf32>,
    tpu.vector_store %arg11[%swap3A], %max3A_94 {strides = array<i32>} : memref<64xf32, #tpu.memory_space<vmem>>, vector<16xf32>,
    %add3A_96 = arith.constant 9.99999996E-13 : f32
    %add3A_97 = vector.broadcast %add3A_96 : f32 to vector<16xf32>
    %add3A_98 = arith.addf %scan3A_29#2, %add3A_97 : vector<16xf32>
    %bitcast3A_99 = vector.bitcast %add3A_98 : vector<16xf32> to vector<16xi32>
    %shift_right_arithmetic3A_100 = arith.constant 1 : i32
    %shift_right_arithmetic3A_101 = vector.broadcast %shift_right_arithmetic3A_100 : i32 to vector<16xi32>
    %shift_right_arithmetic3A_102 = arith.shrsi %bitcast3A_99, %shift_right_arithmetic3A_101 : vector<16xi32>
    %add3A_103 = arith.constant 532487669 : i32
    %add3A_104 = vector.broadcast %add3A_103 : i32 to vector<16xi32>
    %add3A_105 = arith.addi %add3A_104, %shift_right_arithmetic3A_102 : vector<16xi32>
    %bitcast3A_106 = vector.bitcast %add3A_105 : vector<16xi32> to vector<16xf32>
    %div3A_107 = arith.divf %add3A_98, %bitcast3A_106 : vector<16xf32>
    %add3A_108 = arith.addf %bitcast3A_106, %div3A_107 : vector<16xf32>
    %mul3A_109 = arith.constant 5.000000e-01 : f32
    %mul3A_110 = vector.broadcast %mul3A_109 : f32 to vector<16xf32>
    %mul3A_111 = arith.mulf %mul3A_110, %add3A_108 : vector<16xf32>
    %div3A_112 = arith.divf %add3A_98, %mul3A_111 : vector<16xf32>
    %add3A_113 = arith.addf %mul3A_111, %div3A_112 : vector<16xf32>
    %mul3A_114 = arith.constant 5.000000e-01 : f32
    %mul3A_115 = vector.broadcast %mul3A_114 : f32 to vector<16xf32>
    %mul3A_116 = arith.mulf %mul3A_115, %add3A_113 : vector<16xf32>
    %div3A_117 = arith.divf %add3A_98, %mul3A_116 : vector<16xf32>
    %add3A_118 = arith.addf %mul3A_116, %div3A_117 : vector<16xf32>
    %mul3A_119 = arith.constant 5.000000e-01 : f32
    %mul3A_120 = vector.broadcast %mul3A_119 : f32 to vector<16xf32>
    %mul3A_121 = arith.mulf %mul3A_120, %add3A_118 : vector<16xf32>
    %div3A_122 = arith.divf %add3A_98, %mul3A_121 : vector<16xf32>
    %add3A_123 = arith.addf %mul3A_121, %div3A_122 : vector<16xf32>
    %mul3A_124 = arith.constant 5.000000e-01 : f32
    %mul3A_125 = vector.broadcast %mul3A_124 : f32 to vector<16xf32>
    %mul3A_126 = arith.mulf %mul3A_125, %add3A_123 : vector<16xf32>
    %add3A_127 = arith.constant 9.99999996E-13 : f32
    %add3A_128 = vector.broadcast %add3A_127 : f32 to vector<16xf32>
    %add3A_129 = arith.addf %scan3A_29#3, %add3A_128 : vector<16xf32>
    %bitcast3A_130 = vector.bitcast %add3A_129 : vector<16xf32> to vector<16xi32>
    %shift_right_arithmetic3A_131 = arith.constant 1 : i32
    %shift_right_arithmetic3A_132 = vector.broadcast %shift_right_arithmetic3A_131 : i32 to vector<16xi32>
    %shift_right_arithmetic3A_133 = arith.shrsi %bitcast3A_130, %shift_right_arithmetic3A_132 : vector<16xi32>
    %add3A_134 = arith.constant 532487669 : i32
    %add3A_135 = vector.broadcast %add3A_134 : i32 to vector<16xi32>
    %add3A_136 = arith.addi %add3A_135, %shift_right_arithmetic3A_133 : vector<16xi32>
    %bitcast3A_137 = vector.bitcast %add3A_136 : vector<16xi32> to vector<16xf32>
    %div3A_138 = arith.divf %add3A_129, %bitcast3A_137 : vector<16xf32>
    %add3A_139 = arith.addf %bitcast3A_137, %div3A_138 : vector<16xf32>
    %mul3A_140 = arith.constant 5.000000e-01 : f32
    %mul3A_141 = vector.broadcast %mul3A_140 : f32 to vector<16xf32>
    %mul3A_142 = arith.mulf %mul3A_141, %add3A_139 : vector<16xf32>
    %div3A_143 = arith.divf %add3A_129, %mul3A_142 : vector<16xf32>
    %add3A_144 = arith.addf %mul3A_142, %div3A_143 : vector<16xf32>
    %mul3A_145 = arith.constant 5.000000e-01 : f32
    %mul3A_146 = vector.broadcast %mul3A_145 : f32 to vector<16xf32>
    %mul3A_147 = arith.mulf %mul3A_146, %add3A_144 : vector<16xf32>
    %div3A_148 = arith.divf %add3A_129, %mul3A_147 : vector<16xf32>
    %add3A_149 = arith.addf %mul3A_147, %div3A_148 : vector<16xf32>
    %mul3A_150 = arith.constant 5.000000e-01 : f32
    %mul3A_151 = vector.broadcast %mul3A_150 : f32 to vector<16xf32>
    %mul3A_152 = arith.mulf %mul3A_151, %add3A_149 : vector<16xf32>
    %div3A_153 = arith.divf %add3A_129, %mul3A_152 : vector<16xf32>
    %add3A_154 = arith.addf %mul3A_152, %div3A_153 : vector<16xf32>
    %mul3A_155 = arith.constant 5.000000e-01 : f32
    %mul3A_156 = vector.broadcast %mul3A_155 : f32 to vector<16xf32>
    %mul3A_157 = arith.mulf %mul3A_156, %add3A_154 : vector<16xf32>
    %sub3A_158 = arith.subf %mul3A_126, %mul3A_157 : vector<16xf32>
    %add3A_159 = arith.constant 1.000000e+00 : f32
    %add3A_160 = vector.broadcast %add3A_159 : f32 to vector<16xf32>
    %add3A_161 = arith.addf %sub3A_158, %add3A_160 : vector<16xf32>
    %max3A_162 = arith.constant 0.000000e+00 : f32
    %max3A_163 = vector.broadcast %max3A_162 : f32 to vector<16xf32>
    %max3A_164 = arith.maximumf %add3A_161, %max3A_163 : vector<16xf32>
    %swap3A_165 = arith.constant 16 : index
    %swap3A_166 = tpu.vector_load %arg11[%swap3A_165] {strides = array<i32>} : memref<64xf32, #tpu.memory_space<vmem>>, vector<16xf32>,
    tpu.vector_store %arg11[%swap3A_165], %max3A_164 {strides = array<i32>} : memref<64xf32, #tpu.memory_space<vmem>>, vector<16xf32>,
    %add3A_167 = arith.constant 9.99999996E-13 : f32
    %add3A_168 = vector.broadcast %add3A_167 : f32 to vector<16xf32>
    %add3A_169 = arith.addf %scan3A_29#4, %add3A_168 : vector<16xf32>
    %bitcast3A_170 = vector.bitcast %add3A_169 : vector<16xf32> to vector<16xi32>
    %shift_right_arithmetic3A_171 = arith.constant 1 : i32
    %shift_right_arithmetic3A_172 = vector.broadcast %shift_right_arithmetic3A_171 : i32 to vector<16xi32>
    %shift_right_arithmetic3A_173 = arith.shrsi %bitcast3A_170, %shift_right_arithmetic3A_172 : vector<16xi32>
    %add3A_174 = arith.constant 532487669 : i32
    %add3A_175 = vector.broadcast %add3A_174 : i32 to vector<16xi32>
    %add3A_176 = arith.addi %add3A_175, %shift_right_arithmetic3A_173 : vector<16xi32>
    %bitcast3A_177 = vector.bitcast %add3A_176 : vector<16xi32> to vector<16xf32>
    %div3A_178 = arith.divf %add3A_169, %bitcast3A_177 : vector<16xf32>
    %add3A_179 = arith.addf %bitcast3A_177, %div3A_178 : vector<16xf32>
    %mul3A_180 = arith.constant 5.000000e-01 : f32
    %mul3A_181 = vector.broadcast %mul3A_180 : f32 to vector<16xf32>
    %mul3A_182 = arith.mulf %mul3A_181, %add3A_179 : vector<16xf32>
    %div3A_183 = arith.divf %add3A_169, %mul3A_182 : vector<16xf32>
    %add3A_184 = arith.addf %mul3A_182, %div3A_183 : vector<16xf32>
    %mul3A_185 = arith.constant 5.000000e-01 : f32
    %mul3A_186 = vector.broadcast %mul3A_185 : f32 to vector<16xf32>
    %mul3A_187 = arith.mulf %mul3A_186, %add3A_184 : vector<16xf32>
    %div3A_188 = arith.divf %add3A_169, %mul3A_187 : vector<16xf32>
    %add3A_189 = arith.addf %mul3A_187, %div3A_188 : vector<16xf32>
    %mul3A_190 = arith.constant 5.000000e-01 : f32
    %mul3A_191 = vector.broadcast %mul3A_190 : f32 to vector<16xf32>
    %mul3A_192 = arith.mulf %mul3A_191, %add3A_189 : vector<16xf32>
    %div3A_193 = arith.divf %add3A_169, %mul3A_192 : vector<16xf32>
    %add3A_194 = arith.addf %mul3A_192, %div3A_193 : vector<16xf32>
    %mul3A_195 = arith.constant 5.000000e-01 : f32
    %mul3A_196 = vector.broadcast %mul3A_195 : f32 to vector<16xf32>
    %mul3A_197 = arith.mulf %mul3A_196, %add3A_194 : vector<16xf32>
    %add3A_198 = arith.constant 9.99999996E-13 : f32
    %add3A_199 = vector.broadcast %add3A_198 : f32 to vector<16xf32>
    %add3A_200 = arith.addf %scan3A_29#5, %add3A_199 : vector<16xf32>
    %bitcast3A_201 = vector.bitcast %add3A_200 : vector<16xf32> to vector<16xi32>
    %shift_right_arithmetic3A_202 = arith.constant 1 : i32
    %shift_right_arithmetic3A_203 = vector.broadcast %shift_right_arithmetic3A_202 : i32 to vector<16xi32>
    %shift_right_arithmetic3A_204 = arith.shrsi %bitcast3A_201, %shift_right_arithmetic3A_203 : vector<16xi32>
    %add3A_205 = arith.constant 532487669 : i32
    %add3A_206 = vector.broadcast %add3A_205 : i32 to vector<16xi32>
    %add3A_207 = arith.addi %add3A_206, %shift_right_arithmetic3A_204 : vector<16xi32>
    %bitcast3A_208 = vector.bitcast %add3A_207 : vector<16xi32> to vector<16xf32>
    %div3A_209 = arith.divf %add3A_200, %bitcast3A_208 : vector<16xf32>
    %add3A_210 = arith.addf %bitcast3A_208, %div3A_209 : vector<16xf32>
    %mul3A_211 = arith.constant 5.000000e-01 : f32
    %mul3A_212 = vector.broadcast %mul3A_211 : f32 to vector<16xf32>
    %mul3A_213 = arith.mulf %mul3A_212, %add3A_210 : vector<16xf32>
    %div3A_214 = arith.divf %add3A_200, %mul3A_213 : vector<16xf32>
    %add3A_215 = arith.addf %mul3A_213, %div3A_214 : vector<16xf32>
    %mul3A_216 = arith.constant 5.000000e-01 : f32
    %mul3A_217 = vector.broadcast %mul3A_216 : f32 to vector<16xf32>
    %mul3A_218 = arith.mulf %mul3A_217, %add3A_215 : vector<16xf32>
    %div3A_219 = arith.divf %add3A_200, %mul3A_218 : vector<16xf32>
    %add3A_220 = arith.addf %mul3A_218, %div3A_219 : vector<16xf32>
    %mul3A_221 = arith.constant 5.000000e-01 : f32
    %mul3A_222 = vector.broadcast %mul3A_221 : f32 to vector<16xf32>
    %mul3A_223 = arith.mulf %mul3A_222, %add3A_220 : vector<16xf32>
    %div3A_224 = arith.divf %add3A_200, %mul3A_223 : vector<16xf32>
    %add3A_225 = arith.addf %mul3A_223, %div3A_224 : vector<16xf32>
    %mul3A_226 = arith.constant 5.000000e-01 : f32
    %mul3A_227 = vector.broadcast %mul3A_226 : f32 to vector<16xf32>
    %mul3A_228 = arith.mulf %mul3A_227, %add3A_225 : vector<16xf32>
    %sub3A_229 = arith.subf %mul3A_197, %mul3A_228 : vector<16xf32>
    %add3A_230 = arith.constant 1.000000e+00 : f32
    %add3A_231 = vector.broadcast %add3A_230 : f32 to vector<16xf32>
    %add3A_232 = arith.addf %sub3A_229, %add3A_231 : vector<16xf32>
    %max3A_233 = arith.constant 0.000000e+00 : f32
    %max3A_234 = vector.broadcast %max3A_233 : f32 to vector<16xf32>
    %max3A_235 = arith.maximumf %add3A_232, %max3A_234 : vector<16xf32>
    %swap3A_236 = arith.constant 32 : index
    %swap3A_237 = tpu.vector_load %arg11[%swap3A_236] {strides = array<i32>} : memref<64xf32, #tpu.memory_space<vmem>>, vector<16xf32>,
    tpu.vector_store %arg11[%swap3A_236], %max3A_235 {strides = array<i32>} : memref<64xf32, #tpu.memory_space<vmem>>, vector<16xf32>,
    %add3A_238 = arith.constant 9.99999996E-13 : f32
    %add3A_239 = vector.broadcast %add3A_238 : f32 to vector<16xf32>
    %add3A_240 = arith.addf %scan3A_29#6, %add3A_239 : vector<16xf32>
    %bitcast3A_241 = vector.bitcast %add3A_240 : vector<16xf32> to vector<16xi32>
    %shift_right_arithmetic3A_242 = arith.constant 1 : i32
    %shift_right_arithmetic3A_243 = vector.broadcast %shift_right_arithmetic3A_242 : i32 to vector<16xi32>
    %shift_right_arithmetic3A_244 = arith.shrsi %bitcast3A_241, %shift_right_arithmetic3A_243 : vector<16xi32>
    %add3A_245 = arith.constant 532487669 : i32
    %add3A_246 = vector.broadcast %add3A_245 : i32 to vector<16xi32>
    %add3A_247 = arith.addi %add3A_246, %shift_right_arithmetic3A_244 : vector<16xi32>
    %bitcast3A_248 = vector.bitcast %add3A_247 : vector<16xi32> to vector<16xf32>
    %div3A_249 = arith.divf %add3A_240, %bitcast3A_248 : vector<16xf32>
    %add3A_250 = arith.addf %bitcast3A_248, %div3A_249 : vector<16xf32>
    %mul3A_251 = arith.constant 5.000000e-01 : f32
    %mul3A_252 = vector.broadcast %mul3A_251 : f32 to vector<16xf32>
    %mul3A_253 = arith.mulf %mul3A_252, %add3A_250 : vector<16xf32>
    %div3A_254 = arith.divf %add3A_240, %mul3A_253 : vector<16xf32>
    %add3A_255 = arith.addf %mul3A_253, %div3A_254 : vector<16xf32>
    %mul3A_256 = arith.constant 5.000000e-01 : f32
    %mul3A_257 = vector.broadcast %mul3A_256 : f32 to vector<16xf32>
    %mul3A_258 = arith.mulf %mul3A_257, %add3A_255 : vector<16xf32>
    %div3A_259 = arith.divf %add3A_240, %mul3A_258 : vector<16xf32>
    %add3A_260 = arith.addf %mul3A_258, %div3A_259 : vector<16xf32>
    %mul3A_261 = arith.constant 5.000000e-01 : f32
    %mul3A_262 = vector.broadcast %mul3A_261 : f32 to vector<16xf32>
    %mul3A_263 = arith.mulf %mul3A_262, %add3A_260 : vector<16xf32>
    %div3A_264 = arith.divf %add3A_240, %mul3A_263 : vector<16xf32>
    %add3A_265 = arith.addf %mul3A_263, %div3A_264 : vector<16xf32>
    %mul3A_266 = arith.constant 5.000000e-01 : f32
    %mul3A_267 = vector.broadcast %mul3A_266 : f32 to vector<16xf32>
    %mul3A_268 = arith.mulf %mul3A_267, %add3A_265 : vector<16xf32>
    %add3A_269 = arith.constant 9.99999996E-13 : f32
    %add3A_270 = vector.broadcast %add3A_269 : f32 to vector<16xf32>
    %add3A_271 = arith.addf %scan3A_29#7, %add3A_270 : vector<16xf32>
    %bitcast3A_272 = vector.bitcast %add3A_271 : vector<16xf32> to vector<16xi32>
    %shift_right_arithmetic3A_273 = arith.constant 1 : i32
    %shift_right_arithmetic3A_274 = vector.broadcast %shift_right_arithmetic3A_273 : i32 to vector<16xi32>
    %shift_right_arithmetic3A_275 = arith.shrsi %bitcast3A_272, %shift_right_arithmetic3A_274 : vector<16xi32>
    %add3A_276 = arith.constant 532487669 : i32
    %add3A_277 = vector.broadcast %add3A_276 : i32 to vector<16xi32>
    %add3A_278 = arith.addi %add3A_277, %shift_right_arithmetic3A_275 : vector<16xi32>
    %bitcast3A_279 = vector.bitcast %add3A_278 : vector<16xi32> to vector<16xf32>
    %div3A_280 = arith.divf %add3A_271, %bitcast3A_279 : vector<16xf32>
    %add3A_281 = arith.addf %bitcast3A_279, %div3A_280 : vector<16xf32>
    %mul3A_282 = arith.constant 5.000000e-01 : f32
    %mul3A_283 = vector.broadcast %mul3A_282 : f32 to vector<16xf32>
    %mul3A_284 = arith.mulf %mul3A_283, %add3A_281 : vector<16xf32>
    %div3A_285 = arith.divf %add3A_271, %mul3A_284 : vector<16xf32>
    %add3A_286 = arith.addf %mul3A_284, %div3A_285 : vector<16xf32>
    %mul3A_287 = arith.constant 5.000000e-01 : f32
    %mul3A_288 = vector.broadcast %mul3A_287 : f32 to vector<16xf32>
    %mul3A_289 = arith.mulf %mul3A_288, %add3A_286 : vector<16xf32>
    %div3A_290 = arith.divf %add3A_271, %mul3A_289 : vector<16xf32>
    %add3A_291 = arith.addf %mul3A_289, %div3A_290 : vector<16xf32>
    %mul3A_292 = arith.constant 5.000000e-01 : f32
    %mul3A_293 = vector.broadcast %mul3A_292 : f32 to vector<16xf32>
    %mul3A_294 = arith.mulf %mul3A_293, %add3A_291 : vector<16xf32>
    %div3A_295 = arith.divf %add3A_271, %mul3A_294 : vector<16xf32>
    %add3A_296 = arith.addf %mul3A_294, %div3A_295 : vector<16xf32>
    %mul3A_297 = arith.constant 5.000000e-01 : f32
    %mul3A_298 = vector.broadcast %mul3A_297 : f32 to vector<16xf32>
    %mul3A_299 = arith.mulf %mul3A_298, %add3A_296 : vector<16xf32>
    %sub3A_300 = arith.subf %mul3A_268, %mul3A_299 : vector<16xf32>
    %add3A_301 = arith.constant 1.000000e+00 : f32
    %add3A_302 = vector.broadcast %add3A_301 : f32 to vector<16xf32>
    %add3A_303 = arith.addf %sub3A_300, %add3A_302 : vector<16xf32>
    %max3A_304 = arith.constant 0.000000e+00 : f32
    %max3A_305 = vector.broadcast %max3A_304 : f32 to vector<16xf32>
    %max3A_306 = arith.maximumf %add3A_303, %max3A_305 : vector<16xf32>
    %swap3A_307 = arith.constant 48 : index
    %swap3A_308 = tpu.vector_load %arg11[%swap3A_307] {strides = array<i32>} : memref<64xf32, #tpu.memory_space<vmem>>, vector<16xf32>,
    tpu.vector_store %arg11[%swap3A_307], %max3A_306 {strides = array<i32>} : memref<64xf32, #tpu.memory_space<vmem>>, vector<16xf32>,
    "tpu.trace_stop"() : () -> ()
    "tpu.trace_start"() <{level = 10 : i32, message = "out_dma"}> : () -> ()
    "tpu.region"() ({
      %run_scoped3A = tpu.sem_alloc : memref<!tpu.dma_semaphore, #tpu.memory_space<semaphore_mem>>
      %dma_start3A_309 = tpu.memref_slice %arg5[%mul3A_2] : memref<2048xf32, #tpu.memory_space<hbm>> -> memref<64xf32, #tpu.memory_space<hbm>>
      %dma_start3A_310 = tpu.memref_slice %arg5[%mul3A_2] : memref<2048xf32, #tpu.memory_space<hbm>> -> memref<64xf32, #tpu.memory_space<hbm>>
      tpu.enqueue_dma source(%arg11 : memref<64xf32, #tpu.memory_space<vmem>>) target(%dma_start3A_310 : memref<64xf32, #tpu.memory_space<hbm>>) target_semaphore(%run_scoped3A : memref<!tpu.dma_semaphore, #tpu.memory_space<semaphore_mem>>)
      %dma_wait3A_311 = tpu.memref_slice %arg5[%mul3A_2] : memref<2048xf32, #tpu.memory_space<hbm>> -> memref<64xf32, #tpu.memory_space<hbm>>
      %dma_wait3A_312 = tpu.memref_slice %arg5[%mul3A_2] : memref<2048xf32, #tpu.memory_space<hbm>> -> memref<64xf32, #tpu.memory_space<hbm>>
      tpu.wait_dma2 semaphore(%run_scoped3A : memref<!tpu.dma_semaphore, #tpu.memory_space<semaphore_mem>>) src(%arg11 : memref<64xf32, #tpu.memory_space<vmem>>) dst(%dma_wait3A_312 : memref<64xf32, #tpu.memory_space<hbm>>)
      tpu.yield
    }) : () -> ()
    "tpu.trace_stop"() : () -> ()
    return
  }
}

module attributes {stable_mosaic.version = 14 : i64} {
  func.func @_mine_idx_kernel(%arg0: memref<8192x256xf32, #tpu.memory_space<vmem>>, %arg1: memref<16x128xi32, #tpu.memory_space<vmem>>, %arg2: memref<16x128xi32, #tpu.memory_space<vmem>>, %arg3: memref<2048x512xf32, #tpu.memory_space<vmem>>, %arg4: memref<2048x512xi32, #tpu.memory_space<vmem>>) attributes {dimension_semantics = [], scalar_prefetch = 0 : i64, scratch_operands = 2 : i64, tpu.core_type = #tpu.core_type<tc>} {
    %get3A = arith.constant 0 : index
    %get3A_0 = arith.constant 0 : index
    %get3A_1 = vector.load %arg0[%get3A, %get3A_0] : memref<8192x256xf32, #tpu.memory_space<vmem>>, vector<2048x256xf32>
    %mul3A = arith.constant -2.000000e+00 : f32
    %mul3A_2 = vector.broadcast %mul3A : f32 to vector<2048x256xf32>
    %mul3A_3 = arith.mulf %get3A_1, %mul3A_2 : vector<2048x256xf32>
    %iota3A = tpu.iota {dimensions = array<i32: 0>} : vector<512x512xi32>
    %jit3A = arith.constant 16 : i32
    %div3A = vector.broadcast %jit3A : i32 to vector<512x512xi32>
    %div3A_4 = arith.divsi %iota3A, %div3A : vector<512x512xi32>
    %sign3A = arith.constant 0 : i32
    %sign3A_5 = vector.broadcast %sign3A : i32 to vector<512x512xi32>
    %sign3A_6 = arith.cmpi sgt, %iota3A, %sign3A_5 : vector<512x512xi32>
    %sign3A_7 = arith.extui %sign3A_6 : vector<512x512xi1> to vector<512x512xi32>
    %sign3A_8 = arith.constant 0 : i32
    %sign3A_9 = vector.broadcast %sign3A_8 : i32 to vector<512x512xi32>
    %sign3A_10 = arith.cmpi slt, %iota3A, %sign3A_9 : vector<512x512xi32>
    %sign3A_11 = arith.extui %sign3A_10 : vector<512x512xi1> to vector<512x512xi32>
    %sign3A_12 = arith.subi %sign3A_7, %sign3A_11 : vector<512x512xi32>
    %sign3A_13 = arith.constant 0 : i32
    %sign3A_14 = arith.cmpi sgt, %jit3A, %sign3A_13 : i32
    %sign3A_15 = arith.extui %sign3A_14 : i1 to i32
    %sign3A_16 = arith.constant 0 : i32
    %sign3A_17 = arith.cmpi slt, %jit3A, %sign3A_16 : i32
    %sign3A_18 = arith.extui %sign3A_17 : i1 to i32
    %sign3A_19 = arith.subi %sign3A_15, %sign3A_18 : i32
    %ne3A = vector.broadcast %sign3A_19 : i32 to vector<512x512xi32>
    %ne3A_20 = arith.cmpi ne, %sign3A_12, %ne3A : vector<512x512xi32>
    %rem3A = vector.broadcast %jit3A : i32 to vector<512x512xi32>
    %rem3A_21 = arith.remsi %iota3A, %rem3A : vector<512x512xi32>
    %ne3A_22 = arith.constant 0 : i32
    %ne3A_23 = vector.broadcast %ne3A_22 : i32 to vector<512x512xi32>
    %ne3A_24 = arith.cmpi ne, %rem3A_21, %ne3A_23 : vector<512x512xi32>
    %and3A = arith.andi %ne3A_20, %ne3A_24 : vector<512x512xi1>
    %sub3A = arith.constant 1 : i32
    %sub3A_25 = vector.broadcast %sub3A : i32 to vector<512x512xi32>
    %sub3A_26 = arith.subi %div3A_4, %sub3A_25 : vector<512x512xi32>
    %select_n3A = arith.select %and3A, %sub3A_26, %div3A_4 : vector<512x512xi1>, vector<512x512xi32>
    %iota3A_27 = tpu.iota {dimensions = array<i32: 1>} : vector<512x512xi32>
    %jit3A_28 = arith.constant 16 : i32
    %div3A_29 = vector.broadcast %jit3A_28 : i32 to vector<512x512xi32>
    %div3A_30 = arith.divsi %iota3A_27, %div3A_29 : vector<512x512xi32>
    %sign3A_31 = arith.constant 0 : i32
    %sign3A_32 = vector.broadcast %sign3A_31 : i32 to vector<512x512xi32>
    %sign3A_33 = arith.cmpi sgt, %iota3A_27, %sign3A_32 : vector<512x512xi32>
    %sign3A_34 = arith.extui %sign3A_33 : vector<512x512xi1> to vector<512x512xi32>
    %sign3A_35 = arith.constant 0 : i32
    %sign3A_36 = vector.broadcast %sign3A_35 : i32 to vector<512x512xi32>
    %sign3A_37 = arith.cmpi slt, %iota3A_27, %sign3A_36 : vector<512x512xi32>
    %sign3A_38 = arith.extui %sign3A_37 : vector<512x512xi1> to vector<512x512xi32>
    %sign3A_39 = arith.subi %sign3A_34, %sign3A_38 : vector<512x512xi32>
    %sign3A_40 = arith.constant 0 : i32
    %sign3A_41 = arith.cmpi sgt, %jit3A_28, %sign3A_40 : i32
    %sign3A_42 = arith.extui %sign3A_41 : i1 to i32
    %sign3A_43 = arith.constant 0 : i32
    %sign3A_44 = arith.cmpi slt, %jit3A_28, %sign3A_43 : i32
    %sign3A_45 = arith.extui %sign3A_44 : i1 to i32
    %sign3A_46 = arith.subi %sign3A_42, %sign3A_45 : i32
    %ne3A_47 = vector.broadcast %sign3A_46 : i32 to vector<512x512xi32>
    %ne3A_48 = arith.cmpi ne, %sign3A_39, %ne3A_47 : vector<512x512xi32>
    %rem3A_49 = vector.broadcast %jit3A_28 : i32 to vector<512x512xi32>
    %rem3A_50 = arith.remsi %iota3A_27, %rem3A_49 : vector<512x512xi32>
    %ne3A_51 = arith.constant 0 : i32
    %ne3A_52 = vector.broadcast %ne3A_51 : i32 to vector<512x512xi32>
    %ne3A_53 = arith.cmpi ne, %rem3A_50, %ne3A_52 : vector<512x512xi32>
    %and3A_54 = arith.andi %ne3A_48, %ne3A_53 : vector<512x512xi1>
    %sub3A_55 = arith.constant 1 : i32
    %sub3A_56 = vector.broadcast %sub3A_55 : i32 to vector<512x512xi32>
    %sub3A_57 = arith.subi %div3A_30, %sub3A_56 : vector<512x512xi32>
    %select_n3A_58 = arith.select %and3A_54, %sub3A_57, %div3A_30 : vector<512x512xi1>, vector<512x512xi32>
    %eq3A = arith.cmpi eq, %select_n3A, %select_n3A_58 : vector<512x512xi32>
    %iota3A_59 = tpu.iota {dimensions = array<i32: 1>} : vector<512x512xi32>
    %broadcast_in_dim3A = arith.constant 1.000000e+00 : f32
    %broadcast_in_dim3A_60 = vector.broadcast %broadcast_in_dim3A : f32 to vector<1x256xf32>
    %broadcast_in_dim3A_61 = arith.constant 0 : i32
    %broadcast_in_dim3A_62 = vector.broadcast %broadcast_in_dim3A_61 : i32 to vector<2048x512xi32>
    %swap3A = arith.constant 0 : index
    %swap3A_63 = arith.constant 0 : index
    %swap3A_64 = vector.load %arg4[%swap3A, %swap3A_63] : memref<2048x512xi32, #tpu.memory_space<vmem>>, vector<2048x512xi32>
    tpu.vector_store %arg4[%swap3A, %swap3A_63], %broadcast_in_dim3A_62 {strides = array<i32>} : memref<2048x512xi32, #tpu.memory_space<vmem>>, vector<2048x512xi32>,
    %get3A_65 = arith.constant 0 : index
    %get3A_66 = arith.constant 0 : index
    %get3A_67 = vector.load %arg0[%get3A_65, %get3A_66] : memref<8192x256xf32, #tpu.memory_space<vmem>>, vector<512x256xf32>
    %mul3A_68 = arith.mulf %get3A_67, %get3A_67 : vector<512x256xf32>
    %dot_general3A = arith.constant dense<0.000000e+00> : vector<1x512xf32>
    %dot_general3A_69 = tpu.matmul %broadcast_in_dim3A_60, %mul3A_68, %dot_general3A {dimension_numbers = #tpu.dot_dimension_numbers<[1], [1], [0], [0], [0, 0, 1, 0], [], []>, transpose_lhs_hint = false} : vector<1x256xf32>, vector<512x256xf32>, vector<1x512xf32> -> vector<1x512xf32>
    %dot_general3A_70 = arith.constant dense<0.000000e+00> : vector<2048x512xf32>
    %dot_general3A_71 = tpu.matmul %mul3A_3, %get3A_67, %dot_general3A_70 {dimension_numbers = #tpu.dot_dimension_numbers<[1], [1], [0], [0], [0, 0, 1, 0], [], []>, transpose_lhs_hint = false} : vector<2048x256xf32>, vector<512x256xf32>, vector<2048x512xf32> -> vector<2048x512xf32>
    %add3A = vector.broadcast %dot_general3A_69 : vector<1x512xf32> to vector<2048x512xf32>
    %add3A_72 = arith.addf %dot_general3A_71, %add3A : vector<2048x512xf32>
    %slice3A = vector.extract_strided_slice %add3A_72 {offsets = [0, 0], sizes = [512, 512], strides = [1, 1]} : vector<2048x512xf32> to vector<512x512xf32>
    %jit3A_73 = arith.constant 0xFF800000 : f32
    %broadcast_in_dim3A_74 = vector.broadcast %jit3A_73 : f32 to vector<512x512xf32>
    %select_n3A_75 = arith.select %eq3A, %slice3A, %broadcast_in_dim3A_74 : vector<512x512xi1>, vector<512x512xf32>
    %reduce_max3A = arith.constant dense<0xFF800000> : vector<512xf32>
    %reduce_max3A_76 = vector.multi_reduction <maximumf>, %select_n3A_75, %reduce_max3A [1] : vector<512x512xf32> to vector<512xf32>
    %broadcast_in_dim3A_77 = vector.shape_cast %reduce_max3A_76 : vector<512xf32> to vector<512x1xf32>
    %eq3A_78 = vector.broadcast %broadcast_in_dim3A_77 : vector<512x1xf32> to vector<512x512xf32>
    %eq3A_79 = arith.cmpf oeq, %select_n3A_75, %eq3A_78 : vector<512x512xf32>
    %jit3A_80 = arith.constant 8192 : i32
    %broadcast_in_dim3A_81 = vector.broadcast %jit3A_80 : i32 to vector<512x512xi32>
    %select_n3A_82 = arith.select %eq3A_79, %iota3A_59, %broadcast_in_dim3A_81 : vector<512x512xi1>, vector<512x512xi32>
    %reduce_min3A = arith.constant dense<2147483647> : vector<512xi32>
    %reduce_min3A_83 = vector.multi_reduction <minsi>, %select_n3A_82, %reduce_min3A [1] : vector<512x512xi32> to vector<512xi32>
    %broadcast_in_dim3A_84 = vector.shape_cast %reduce_min3A_83 : vector<512xi32> to vector<512x1xi32>
    %add3A_85 = arith.constant 0 : i32
    %add3A_86 = vector.broadcast %add3A_85 : i32 to vector<512x1xi32>
    %add3A_87 = arith.addi %broadcast_in_dim3A_84, %add3A_86 : vector<512x1xi32>
    %reshape3A = vector.shape_cast %add3A_87 : vector<512x1xi32> to vector<4x128xi32>
    %swap3A_88 = arith.constant 0 : index
    %swap3A_89 = arith.constant 0 : index
    %swap3A_90 = vector.load %arg1[%swap3A_88, %swap3A_89] : memref<16x128xi32, #tpu.memory_space<vmem>>, vector<4x128xi32>
    tpu.vector_store %arg1[%swap3A_88, %swap3A_89], %reshape3A {strides = array<i32>} : memref<16x128xi32, #tpu.memory_space<vmem>>, vector<4x128xi32>,
    %jit3A_91 = arith.constant 0x7F800000 : f32
    %broadcast_in_dim3A_92 = vector.broadcast %jit3A_91 : f32 to vector<512x512xf32>
    %select_n3A_93 = arith.select %eq3A, %broadcast_in_dim3A_92, %slice3A : vector<512x512xi1>, vector<512x512xf32>
    %swap3A_94 = arith.constant 0 : index
    %swap3A_95 = arith.constant 0 : index
    %swap3A_96 = vector.load %arg3[%swap3A_94, %swap3A_95] : memref<2048x512xf32, #tpu.memory_space<vmem>>, vector<512x512xf32>
    tpu.vector_store %arg3[%swap3A_94, %swap3A_95], %select_n3A_93 {strides = array<i32>} : memref<2048x512xf32, #tpu.memory_space<vmem>>, vector<512x512xf32>,
    %slice3A_97 = vector.extract_strided_slice %add3A_72 {offsets = [512, 0], sizes = [1536, 512], strides = [1, 1]} : vector<2048x512xf32> to vector<1536x512xf32>
    %swap3A_98 = arith.constant 512 : index
    %swap3A_99 = arith.constant 0 : index
    %swap3A_100 = vector.load %arg3[%swap3A_98, %swap3A_99] : memref<2048x512xf32, #tpu.memory_space<vmem>>, vector<1536x512xf32>
    tpu.vector_store %arg3[%swap3A_98, %swap3A_99], %slice3A_97 {strides = array<i32>} : memref<2048x512xf32, #tpu.memory_space<vmem>>, vector<1536x512xf32>,
    %get3A_101 = arith.constant 512 : index
    %get3A_102 = arith.constant 0 : index
    %get3A_103 = vector.load %arg0[%get3A_101, %get3A_102] : memref<8192x256xf32, #tpu.memory_space<vmem>>, vector<512x256xf32>
    %mul3A_104 = arith.mulf %get3A_103, %get3A_103 : vector<512x256xf32>
    %dot_general3A_105 = arith.constant dense<0.000000e+00> : vector<1x512xf32>
    %dot_general3A_106 = tpu.matmul %broadcast_in_dim3A_60, %mul3A_104, %dot_general3A_105 {dimension_numbers = #tpu.dot_dimension_numbers<[1], [1], [0], [0], [0, 0, 1, 0], [], []>, transpose_lhs_hint = false} : vector<1x256xf32>, vector<512x256xf32>, vector<1x512xf32> -> vector<1x512xf32>
    %dot_general3A_107 = arith.constant dense<0.000000e+00> : vector<2048x512xf32>
    %dot_general3A_108 = tpu.matmul %mul3A_3, %get3A_103, %dot_general3A_107 {dimension_numbers = #tpu.dot_dimension_numbers<[1], [1], [0], [0], [0, 0, 1, 0], [], []>, transpose_lhs_hint = false} : vector<2048x256xf32>, vector<512x256xf32>, vector<2048x512xf32> -> vector<2048x512xf32>
    %add3A_109 = vector.broadcast %dot_general3A_106 : vector<1x512xf32> to vector<2048x512xf32>
    %add3A_110 = arith.addf %dot_general3A_108, %add3A_109 : vector<2048x512xf32>
    %slice3A_111 = vector.extract_strided_slice %add3A_110 {offsets = [512, 0], sizes = [512, 512], strides = [1, 1]} : vector<2048x512xf32> to vector<512x512xf32>
    %jit3A_112 = arith.constant 0xFF800000 : f32
    %broadcast_in_dim3A_113 = vector.broadcast %jit3A_112 : f32 to vector<512x512xf32>
    %select_n3A_114 = arith.select %eq3A, %slice3A_111, %broadcast_in_dim3A_113 : vector<512x512xi1>, vector<512x512xf32>
    %reduce_max3A_115 = arith.constant dense<0xFF800000> : vector<512xf32>
    %reduce_max3A_116 = vector.multi_reduction <maximumf>, %select_n3A_114, %reduce_max3A_115 [1] : vector<512x512xf32> to vector<512xf32>
    %broadcast_in_dim3A_117 = vector.shape_cast %reduce_max3A_116 : vector<512xf32> to vector<512x1xf32>
    %eq3A_118 = vector.broadcast %broadcast_in_dim3A_117 : vector<512x1xf32> to vector<512x512xf32>
    %eq3A_119 = arith.cmpf oeq, %select_n3A_114, %eq3A_118 : vector<512x512xf32>
    %jit3A_120 = arith.constant 8192 : i32
    %broadcast_in_dim3A_121 = vector.broadcast %jit3A_120 : i32 to vector<512x512xi32>
    %select_n3A_122 = arith.select %eq3A_119, %iota3A_59, %broadcast_in_dim3A_121 : vector<512x512xi1>, vector<512x512xi32>
    %reduce_min3A_123 = arith.constant dense<2147483647> : vector<512xi32>
    %reduce_min3A_124 = vector.multi_reduction <minsi>, %select_n3A_122, %reduce_min3A_123 [1] : vector<512x512xi32> to vector<512xi32>
    %broadcast_in_dim3A_125 = vector.shape_cast %reduce_min3A_124 : vector<512xi32> to vector<512x1xi32>
    %add3A_126 = arith.constant 512 : i32
    %add3A_127 = vector.broadcast %add3A_126 : i32 to vector<512x1xi32>
    %add3A_128 = arith.addi %broadcast_in_dim3A_125, %add3A_127 : vector<512x1xi32>
    %reshape3A_129 = vector.shape_cast %add3A_128 : vector<512x1xi32> to vector<4x128xi32>
    %swap3A_130 = arith.constant 4 : index
    %swap3A_131 = arith.constant 0 : index
    %swap3A_132 = vector.load %arg1[%swap3A_130, %swap3A_131] : memref<16x128xi32, #tpu.memory_space<vmem>>, vector<4x128xi32>
    tpu.vector_store %arg1[%swap3A_130, %swap3A_131], %reshape3A_129 {strides = array<i32>} : memref<16x128xi32, #tpu.memory_space<vmem>>, vector<4x128xi32>,
    %jit3A_133 = arith.constant 0x7F800000 : f32
    %broadcast_in_dim3A_134 = vector.broadcast %jit3A_133 : f32 to vector<512x512xf32>
    %select_n3A_135 = arith.select %eq3A, %broadcast_in_dim3A_134, %slice3A_111 : vector<512x512xi1>, vector<512x512xf32>
    %slice3A_136 = vector.extract_strided_slice %add3A_110 {offsets = [0, 0], sizes = [512, 512], strides = [1, 1]} : vector<2048x512xf32> to vector<512x512xf32>
    %get3A_137 = arith.constant 0 : index
    %get3A_138 = arith.constant 0 : index
    %get3A_139 = vector.load %arg3[%get3A_137, %get3A_138] : memref<2048x512xf32, #tpu.memory_space<vmem>>, vector<512x512xf32>
    %lt3A = arith.cmpf olt, %slice3A_136, %get3A_139 : vector<512x512xf32>
    %select_n3A_140 = arith.select %lt3A, %slice3A_136, %get3A_139 : vector<512x512xi1>, vector<512x512xf32>
    %swap3A_141 = arith.constant 0 : index
    %swap3A_142 = arith.constant 0 : index
    %swap3A_143 = vector.load %arg3[%swap3A_141, %swap3A_142] : memref<2048x512xf32, #tpu.memory_space<vmem>>, vector<512x512xf32>
    tpu.vector_store %arg3[%swap3A_141, %swap3A_142], %select_n3A_140 {strides = array<i32>} : memref<2048x512xf32, #tpu.memory_space<vmem>>, vector<512x512xf32>,
    %get3A_144 = arith.constant 0 : index
    %get3A_145 = arith.constant 0 : index
    %get3A_146 = vector.load %arg4[%get3A_144, %get3A_145] : memref<2048x512xi32, #tpu.memory_space<vmem>>, vector<512x512xi32>
    %jit3A_147 = arith.constant 1 : i32
    %broadcast_in_dim3A_148 = vector.broadcast %jit3A_147 : i32 to vector<512x512xi32>
    %select_n3A_149 = arith.select %lt3A, %broadcast_in_dim3A_148, %get3A_146 : vector<512x512xi1>, vector<512x512xi32>
    %swap3A_150 = arith.constant 0 : index
    %swap3A_151 = arith.constant 0 : index
    %swap3A_152 = vector.load %arg4[%swap3A_150, %swap3A_151] : memref<2048x512xi32, #tpu.memory_space<vmem>>, vector<512x512xi32>
    tpu.vector_store %arg4[%swap3A_150, %swap3A_151], %select_n3A_149 {strides = array<i32>} : memref<2048x512xi32, #tpu.memory_space<vmem>>, vector<512x512xi32>,
    %get3A_153 = arith.constant 512 : index
    %get3A_154 = arith.constant 0 : index
    %get3A_155 = vector.load %arg3[%get3A_153, %get3A_154] : memref<2048x512xf32, #tpu.memory_space<vmem>>, vector<512x512xf32>
    %lt3A_156 = arith.cmpf olt, %select_n3A_135, %get3A_155 : vector<512x512xf32>
    %select_n3A_157 = arith.select %lt3A_156, %select_n3A_135, %get3A_155 : vector<512x512xi1>, vector<512x512xf32>
    %swap3A_158 = arith.constant 512 : index
    %swap3A_159 = arith.constant 0 : index
    %swap3A_160 = vector.load %arg3[%swap3A_158, %swap3A_159] : memref<2048x512xf32, #tpu.memory_space<vmem>>, vector<512x512xf32>
    tpu.vector_store %arg3[%swap3A_158, %swap3A_159], %select_n3A_157 {strides = array<i32>} : memref<2048x512xf32, #tpu.memory_space<vmem>>, vector<512x512xf32>,
    %get3A_161 = arith.constant 512 : index
    %get3A_162 = arith.constant 0 : index
    %get3A_163 = vector.load %arg4[%get3A_161, %get3A_162] : memref<2048x512xi32, #tpu.memory_space<vmem>>, vector<512x512xi32>
    %jit3A_164 = arith.constant 1 : i32
    %broadcast_in_dim3A_165 = vector.broadcast %jit3A_164 : i32 to vector<512x512xi32>
    %select_n3A_166 = arith.select %lt3A_156, %broadcast_in_dim3A_165, %get3A_163 : vector<512x512xi1>, vector<512x512xi32>
    %swap3A_167 = arith.constant 512 : index
    %swap3A_168 = arith.constant 0 : index
    %swap3A_169 = vector.load %arg4[%swap3A_167, %swap3A_168] : memref<2048x512xi32, #tpu.memory_space<vmem>>, vector<512x512xi32>
    tpu.vector_store %arg4[%swap3A_167, %swap3A_168], %select_n3A_166 {strides = array<i32>} : memref<2048x512xi32, #tpu.memory_space<vmem>>, vector<512x512xi32>,
    %slice3A_170 = vector.extract_strided_slice %add3A_110 {offsets = [1024, 0], sizes = [1024, 512], strides = [1, 1]} : vector<2048x512xf32> to vector<1024x512xf32>
    %get3A_171 = arith.constant 1024 : index
    %get3A_172 = arith.constant 0 : index
    %get3A_173 = vector.load %arg3[%get3A_171, %get3A_172] : memref<2048x512xf32, #tpu.memory_space<vmem>>, vector<1024x512xf32>
    %lt3A_174 = arith.cmpf olt, %slice3A_170, %get3A_173 : vector<1024x512xf32>
    %select_n3A_175 = arith.select %lt3A_174, %slice3A_170, %get3A_173 : vector<1024x512xi1>, vector<1024x512xf32>
    %swap3A_176 = arith.constant 1024 : index
    %swap3A_177 = arith.constant 0 : index
    %swap3A_178 = vector.load %arg3[%swap3A_176, %swap3A_177] : memref<2048x512xf32, #tpu.memory_space<vmem>>, vector<1024x512xf32>
    tpu.vector_store %arg3[%swap3A_176, %swap3A_177], %select_n3A_175 {strides = array<i32>} : memref<2048x512xf32, #tpu.memory_space<vmem>>, vector<1024x512xf32>,
    %get3A_179 = arith.constant 1024 : index
    %get3A_180 = arith.constant 0 : index
    %get3A_181 = vector.load %arg4[%get3A_179, %get3A_180] : memref<2048x512xi32, #tpu.memory_space<vmem>>, vector<1024x512xi32>
    %jit3A_182 = arith.constant 1 : i32
    %broadcast_in_dim3A_183 = vector.broadcast %jit3A_182 : i32 to vector<1024x512xi32>
    %select_n3A_184 = arith.select %lt3A_174, %broadcast_in_dim3A_183, %get3A_181 : vector<1024x512xi1>, vector<1024x512xi32>
    %swap3A_185 = arith.constant 1024 : index
    %swap3A_186 = arith.constant 0 : index
    %swap3A_187 = vector.load %arg4[%swap3A_185, %swap3A_186] : memref<2048x512xi32, #tpu.memory_space<vmem>>, vector<1024x512xi32>
    tpu.vector_store %arg4[%swap3A_185, %swap3A_186], %select_n3A_184 {strides = array<i32>} : memref<2048x512xi32, #tpu.memory_space<vmem>>, vector<1024x512xi32>,
    %get3A_188 = arith.constant 1024 : index
    %get3A_189 = arith.constant 0 : index
    %get3A_190 = vector.load %arg0[%get3A_188, %get3A_189] : memref<8192x256xf32, #tpu.memory_space<vmem>>, vector<512x256xf32>
    %mul3A_191 = arith.mulf %get3A_190, %get3A_190 : vector<512x256xf32>
    %dot_general3A_192 = arith.constant dense<0.000000e+00> : vector<1x512xf32>
    %dot_general3A_193 = tpu.matmul %broadcast_in_dim3A_60, %mul3A_191, %dot_general3A_192 {dimension_numbers = #tpu.dot_dimension_numbers<[1], [1], [0], [0], [0, 0, 1, 0], [], []>, transpose_lhs_hint = false} : vector<1x256xf32>, vector<512x256xf32>, vector<1x512xf32> -> vector<1x512xf32>
    %dot_general3A_194 = arith.constant dense<0.000000e+00> : vector<2048x512xf32>
    %dot_general3A_195 = tpu.matmul %mul3A_3, %get3A_190, %dot_general3A_194 {dimension_numbers = #tpu.dot_dimension_numbers<[1], [1], [0], [0], [0, 0, 1, 0], [], []>, transpose_lhs_hint = false} : vector<2048x256xf32>, vector<512x256xf32>, vector<2048x512xf32> -> vector<2048x512xf32>
    %add3A_196 = vector.broadcast %dot_general3A_193 : vector<1x512xf32> to vector<2048x512xf32>
    %add3A_197 = arith.addf %dot_general3A_195, %add3A_196 : vector<2048x512xf32>
    %slice3A_198 = vector.extract_strided_slice %add3A_197 {offsets = [1024, 0], sizes = [512, 512], strides = [1, 1]} : vector<2048x512xf32> to vector<512x512xf32>
    %jit3A_199 = arith.constant 0xFF800000 : f32
    %broadcast_in_dim3A_200 = vector.broadcast %jit3A_199 : f32 to vector<512x512xf32>
    %select_n3A_201 = arith.select %eq3A, %slice3A_198, %broadcast_in_dim3A_200 : vector<512x512xi1>, vector<512x512xf32>
    %reduce_max3A_202 = arith.constant dense<0xFF800000> : vector<512xf32>
    %reduce_max3A_203 = vector.multi_reduction <maximumf>, %select_n3A_201, %reduce_max3A_202 [1] : vector<512x512xf32> to vector<512xf32>
    %broadcast_in_dim3A_204 = vector.shape_cast %reduce_max3A_203 : vector<512xf32> to vector<512x1xf32>
    %eq3A_205 = vector.broadcast %broadcast_in_dim3A_204 : vector<512x1xf32> to vector<512x512xf32>
    %eq3A_206 = arith.cmpf oeq, %select_n3A_201, %eq3A_205 : vector<512x512xf32>
    %jit3A_207 = arith.constant 8192 : i32
    %broadcast_in_dim3A_208 = vector.broadcast %jit3A_207 : i32 to vector<512x512xi32>
    %select_n3A_209 = arith.select %eq3A_206, %iota3A_59, %broadcast_in_dim3A_208 : vector<512x512xi1>, vector<512x512xi32>
    %reduce_min3A_210 = arith.constant dense<2147483647> : vector<512xi32>
    %reduce_min3A_211 = vector.multi_reduction <minsi>, %select_n3A_209, %reduce_min3A_210 [1] : vector<512x512xi32> to vector<512xi32>
    %broadcast_in_dim3A_212 = vector.shape_cast %reduce_min3A_211 : vector<512xi32> to vector<512x1xi32>
    %add3A_213 = arith.constant 1024 : i32
    %add3A_214 = vector.broadcast %add3A_213 : i32 to vector<512x1xi32>
    %add3A_215 = arith.addi %broadcast_in_dim3A_212, %add3A_214 : vector<512x1xi32>
    %reshape3A_216 = vector.shape_cast %add3A_215 : vector<512x1xi32> to vector<4x128xi32>
    %swap3A_217 = arith.constant 8 : index
    %swap3A_218 = arith.constant 0 : index
    %swap3A_219 = vector.load %arg1[%swap3A_217, %swap3A_218] : memref<16x128xi32, #tpu.memory_space<vmem>>, vector<4x128xi32>
    tpu.vector_store %arg1[%swap3A_217, %swap3A_218], %reshape3A_216 {strides = array<i32>} : memref<16x128xi32, #tpu.memory_space<vmem>>, vector<4x128xi32>,
    %jit3A_220 = arith.constant 0x7F800000 : f32
    %broadcast_in_dim3A_221 = vector.broadcast %jit3A_220 : f32 to vector<512x512xf32>
    %select_n3A_222 = arith.select %eq3A, %broadcast_in_dim3A_221, %slice3A_198 : vector<512x512xi1>, vector<512x512xf32>
    %slice3A_223 = vector.extract_strided_slice %add3A_197 {offsets = [0, 0], sizes = [1024, 512], strides = [1, 1]} : vector<2048x512xf32> to vector<1024x512xf32>
    %get3A_224 = arith.constant 0 : index
    %get3A_225 = arith.constant 0 : index
    %get3A_226 = vector.load %arg3[%get3A_224, %get3A_225] : memref<2048x512xf32, #tpu.memory_space<vmem>>, vector<1024x512xf32>
    %lt3A_227 = arith.cmpf olt, %slice3A_223, %get3A_226 : vector<1024x512xf32>
    %select_n3A_228 = arith.select %lt3A_227, %slice3A_223, %get3A_226 : vector<1024x512xi1>, vector<1024x512xf32>
    %swap3A_229 = arith.constant 0 : index
    %swap3A_230 = arith.constant 0 : index
    %swap3A_231 = vector.load %arg3[%swap3A_229, %swap3A_230] : memref<2048x512xf32, #tpu.memory_space<vmem>>, vector<1024x512xf32>
    tpu.vector_store %arg3[%swap3A_229, %swap3A_230], %select_n3A_228 {strides = array<i32>} : memref<2048x512xf32, #tpu.memory_space<vmem>>, vector<1024x512xf32>,
    %get3A_232 = arith.constant 0 : index
    %get3A_233 = arith.constant 0 : index
    %get3A_234 = vector.load %arg4[%get3A_232, %get3A_233] : memref<2048x512xi32, #tpu.memory_space<vmem>>, vector<1024x512xi32>
    %jit3A_235 = arith.constant 2 : i32
    %broadcast_in_dim3A_236 = vector.broadcast %jit3A_235 : i32 to vector<1024x512xi32>
    %select_n3A_237 = arith.select %lt3A_227, %broadcast_in_dim3A_236, %get3A_234 : vector<1024x512xi1>, vector<1024x512xi32>
    %swap3A_238 = arith.constant 0 : index
    %swap3A_239 = arith.constant 0 : index
    %swap3A_240 = vector.load %arg4[%swap3A_238, %swap3A_239] : memref<2048x512xi32, #tpu.memory_space<vmem>>, vector<1024x512xi32>
    tpu.vector_store %arg4[%swap3A_238, %swap3A_239], %select_n3A_237 {strides = array<i32>} : memref<2048x512xi32, #tpu.memory_space<vmem>>, vector<1024x512xi32>,
    %get3A_241 = arith.constant 1024 : index
    %get3A_242 = arith.constant 0 : index
    %get3A_243 = vector.load %arg3[%get3A_241, %get3A_242] : memref<2048x512xf32, #tpu.memory_space<vmem>>, vector<512x512xf32>
    %lt3A_244 = arith.cmpf olt, %select_n3A_222, %get3A_243 : vector<512x512xf32>
    %select_n3A_245 = arith.select %lt3A_244, %select_n3A_222, %get3A_243 : vector<512x512xi1>, vector<512x512xf32>
    %swap3A_246 = arith.constant 1024 : index
    %swap3A_247 = arith.constant 0 : index
    %swap3A_248 = vector.load %arg3[%swap3A_246, %swap3A_247] : memref<2048x512xf32, #tpu.memory_space<vmem>>, vector<512x512xf32>
    tpu.vector_store %arg3[%swap3A_246, %swap3A_247], %select_n3A_245 {strides = array<i32>} : memref<2048x512xf32, #tpu.memory_space<vmem>>, vector<512x512xf32>,
    %get3A_249 = arith.constant 1024 : index
    %get3A_250 = arith.constant 0 : index
    %get3A_251 = vector.load %arg4[%get3A_249, %get3A_250] : memref<2048x512xi32, #tpu.memory_space<vmem>>, vector<512x512xi32>
    %jit3A_252 = arith.constant 2 : i32
    %broadcast_in_dim3A_253 = vector.broadcast %jit3A_252 : i32 to vector<512x512xi32>
    %select_n3A_254 = arith.select %lt3A_244, %broadcast_in_dim3A_253, %get3A_251 : vector<512x512xi1>, vector<512x512xi32>
    %swap3A_255 = arith.constant 1024 : index
    %swap3A_256 = arith.constant 0 : index
    %swap3A_257 = vector.load %arg4[%swap3A_255, %swap3A_256] : memref<2048x512xi32, #tpu.memory_space<vmem>>, vector<512x512xi32>
    tpu.vector_store %arg4[%swap3A_255, %swap3A_256], %select_n3A_254 {strides = array<i32>} : memref<2048x512xi32, #tpu.memory_space<vmem>>, vector<512x512xi32>,
    %slice3A_258 = vector.extract_strided_slice %add3A_197 {offsets = [1536, 0], sizes = [512, 512], strides = [1, 1]} : vector<2048x512xf32> to vector<512x512xf32>
    %get3A_259 = arith.constant 1536 : index
    %get3A_260 = arith.constant 0 : index
    %get3A_261 = vector.load %arg3[%get3A_259, %get3A_260] : memref<2048x512xf32, #tpu.memory_space<vmem>>, vector<512x512xf32>
    %lt3A_262 = arith.cmpf olt, %slice3A_258, %get3A_261 : vector<512x512xf32>
    %select_n3A_263 = arith.select %lt3A_262, %slice3A_258, %get3A_261 : vector<512x512xi1>, vector<512x512xf32>
    %swap3A_264 = arith.constant 1536 : index
    %swap3A_265 = arith.constant 0 : index
    %swap3A_266 = vector.load %arg3[%swap3A_264, %swap3A_265] : memref<2048x512xf32, #tpu.memory_space<vmem>>, vector<512x512xf32>
    tpu.vector_store %arg3[%swap3A_264, %swap3A_265], %select_n3A_263 {strides = array<i32>} : memref<2048x512xf32, #tpu.memory_space<vmem>>, vector<512x512xf32>,
    %get3A_267 = arith.constant 1536 : index
    %get3A_268 = arith.constant 0 : index
    %get3A_269 = vector.load %arg4[%get3A_267, %get3A_268] : memref<2048x512xi32, #tpu.memory_space<vmem>>, vector<512x512xi32>
    %jit3A_270 = arith.constant 2 : i32
    %broadcast_in_dim3A_271 = vector.broadcast %jit3A_270 : i32 to vector<512x512xi32>
    %select_n3A_272 = arith.select %lt3A_262, %broadcast_in_dim3A_271, %get3A_269 : vector<512x512xi1>, vector<512x512xi32>
    %swap3A_273 = arith.constant 1536 : index
    %swap3A_274 = arith.constant 0 : index
    %swap3A_275 = vector.load %arg4[%swap3A_273, %swap3A_274] : memref<2048x512xi32, #tpu.memory_space<vmem>>, vector<512x512xi32>
    tpu.vector_store %arg4[%swap3A_273, %swap3A_274], %select_n3A_272 {strides = array<i32>} : memref<2048x512xi32, #tpu.memory_space<vmem>>, vector<512x512xi32>,
    %get3A_276 = arith.constant 1536 : index
    %get3A_277 = arith.constant 0 : index
    %get3A_278 = vector.load %arg0[%get3A_276, %get3A_277] : memref<8192x256xf32, #tpu.memory_space<vmem>>, vector<512x256xf32>
    %mul3A_279 = arith.mulf %get3A_278, %get3A_278 : vector<512x256xf32>
    %dot_general3A_280 = arith.constant dense<0.000000e+00> : vector<1x512xf32>
    %dot_general3A_281 = tpu.matmul %broadcast_in_dim3A_60, %mul3A_279, %dot_general3A_280 {dimension_numbers = #tpu.dot_dimension_numbers<[1], [1], [0], [0], [0, 0, 1, 0], [], []>, transpose_lhs_hint = false} : vector<1x256xf32>, vector<512x256xf32>, vector<1x512xf32> -> vector<1x512xf32>
    %dot_general3A_282 = arith.constant dense<0.000000e+00> : vector<2048x512xf32>
    %dot_general3A_283 = tpu.matmul %mul3A_3, %get3A_278, %dot_general3A_282 {dimension_numbers = #tpu.dot_dimension_numbers<[1], [1], [0], [0], [0, 0, 1, 0], [], []>, transpose_lhs_hint = false} : vector<2048x256xf32>, vector<512x256xf32>, vector<2048x512xf32> -> vector<2048x512xf32>
    %add3A_284 = vector.broadcast %dot_general3A_281 : vector<1x512xf32> to vector<2048x512xf32>
    %add3A_285 = arith.addf %dot_general3A_283, %add3A_284 : vector<2048x512xf32>
    %slice3A_286 = vector.extract_strided_slice %add3A_285 {offsets = [1536, 0], sizes = [512, 512], strides = [1, 1]} : vector<2048x512xf32> to vector<512x512xf32>
    %jit3A_287 = arith.constant 0xFF800000 : f32
    %broadcast_in_dim3A_288 = vector.broadcast %jit3A_287 : f32 to vector<512x512xf32>
    %select_n3A_289 = arith.select %eq3A, %slice3A_286, %broadcast_in_dim3A_288 : vector<512x512xi1>, vector<512x512xf32>
    %reduce_max3A_290 = arith.constant dense<0xFF800000> : vector<512xf32>
    %reduce_max3A_291 = vector.multi_reduction <maximumf>, %select_n3A_289, %reduce_max3A_290 [1] : vector<512x512xf32> to vector<512xf32>
    %broadcast_in_dim3A_292 = vector.shape_cast %reduce_max3A_291 : vector<512xf32> to vector<512x1xf32>
    %eq3A_293 = vector.broadcast %broadcast_in_dim3A_292 : vector<512x1xf32> to vector<512x512xf32>
    %eq3A_294 = arith.cmpf oeq, %select_n3A_289, %eq3A_293 : vector<512x512xf32>
    %jit3A_295 = arith.constant 8192 : i32
    %broadcast_in_dim3A_296 = vector.broadcast %jit3A_295 : i32 to vector<512x512xi32>
    %select_n3A_297 = arith.select %eq3A_294, %iota3A_59, %broadcast_in_dim3A_296 : vector<512x512xi1>, vector<512x512xi32>
    %reduce_min3A_298 = arith.constant dense<2147483647> : vector<512xi32>
    %reduce_min3A_299 = vector.multi_reduction <minsi>, %select_n3A_297, %reduce_min3A_298 [1] : vector<512x512xi32> to vector<512xi32>
    %broadcast_in_dim3A_300 = vector.shape_cast %reduce_min3A_299 : vector<512xi32> to vector<512x1xi32>
    %add3A_301 = arith.constant 1536 : i32
    %add3A_302 = vector.broadcast %add3A_301 : i32 to vector<512x1xi32>
    %add3A_303 = arith.addi %broadcast_in_dim3A_300, %add3A_302 : vector<512x1xi32>
    %reshape3A_304 = vector.shape_cast %add3A_303 : vector<512x1xi32> to vector<4x128xi32>
    %swap3A_305 = arith.constant 12 : index
    %swap3A_306 = arith.constant 0 : index
    %swap3A_307 = vector.load %arg1[%swap3A_305, %swap3A_306] : memref<16x128xi32, #tpu.memory_space<vmem>>, vector<4x128xi32>
    tpu.vector_store %arg1[%swap3A_305, %swap3A_306], %reshape3A_304 {strides = array<i32>} : memref<16x128xi32, #tpu.memory_space<vmem>>, vector<4x128xi32>,
    %jit3A_308 = arith.constant 0x7F800000 : f32
    %broadcast_in_dim3A_309 = vector.broadcast %jit3A_308 : f32 to vector<512x512xf32>
    %select_n3A_310 = arith.select %eq3A, %broadcast_in_dim3A_309, %slice3A_286 : vector<512x512xi1>, vector<512x512xf32>
    %slice3A_311 = vector.extract_strided_slice %add3A_285 {offsets = [0, 0], sizes = [1536, 512], strides = [1, 1]} : vector<2048x512xf32> to vector<1536x512xf32>
    %get3A_312 = arith.constant 0 : index
    %get3A_313 = arith.constant 0 : index
    %get3A_314 = vector.load %arg3[%get3A_312, %get3A_313] : memref<2048x512xf32, #tpu.memory_space<vmem>>, vector<1536x512xf32>
    %lt3A_315 = arith.cmpf olt, %slice3A_311, %get3A_314 : vector<1536x512xf32>
    %select_n3A_316 = arith.select %lt3A_315, %slice3A_311, %get3A_314 : vector<1536x512xi1>, vector<1536x512xf32>
    %swap3A_317 = arith.constant 0 : index
    %swap3A_318 = arith.constant 0 : index
    %swap3A_319 = vector.load %arg3[%swap3A_317, %swap3A_318] : memref<2048x512xf32, #tpu.memory_space<vmem>>, vector<1536x512xf32>
    tpu.vector_store %arg3[%swap3A_317, %swap3A_318], %select_n3A_316 {strides = array<i32>} : memref<2048x512xf32, #tpu.memory_space<vmem>>, vector<1536x512xf32>,
    %get3A_320 = arith.constant 0 : index
    %get3A_321 = arith.constant 0 : index
    %get3A_322 = vector.load %arg4[%get3A_320, %get3A_321] : memref<2048x512xi32, #tpu.memory_space<vmem>>, vector<1536x512xi32>
    %jit3A_323 = arith.constant 3 : i32
    %broadcast_in_dim3A_324 = vector.broadcast %jit3A_323 : i32 to vector<1536x512xi32>
    %select_n3A_325 = arith.select %lt3A_315, %broadcast_in_dim3A_324, %get3A_322 : vector<1536x512xi1>, vector<1536x512xi32>
    %swap3A_326 = arith.constant 0 : index
    %swap3A_327 = arith.constant 0 : index
    %swap3A_328 = vector.load %arg4[%swap3A_326, %swap3A_327] : memref<2048x512xi32, #tpu.memory_space<vmem>>, vector<1536x512xi32>
    tpu.vector_store %arg4[%swap3A_326, %swap3A_327], %select_n3A_325 {strides = array<i32>} : memref<2048x512xi32, #tpu.memory_space<vmem>>, vector<1536x512xi32>,
    %get3A_329 = arith.constant 1536 : index
    %get3A_330 = arith.constant 0 : index
    %get3A_331 = vector.load %arg3[%get3A_329, %get3A_330] : memref<2048x512xf32, #tpu.memory_space<vmem>>, vector<512x512xf32>
    %lt3A_332 = arith.cmpf olt, %select_n3A_310, %get3A_331 : vector<512x512xf32>
    %select_n3A_333 = arith.select %lt3A_332, %select_n3A_310, %get3A_331 : vector<512x512xi1>, vector<512x512xf32>
    %swap3A_334 = arith.constant 1536 : index
    %swap3A_335 = arith.constant 0 : index
    %swap3A_336 = vector.load %arg3[%swap3A_334, %swap3A_335] : memref<2048x512xf32, #tpu.memory_space<vmem>>, vector<512x512xf32>
    tpu.vector_store %arg3[%swap3A_334, %swap3A_335], %select_n3A_333 {strides = array<i32>} : memref<2048x512xf32, #tpu.memory_space<vmem>>, vector<512x512xf32>,
    %get3A_337 = arith.constant 1536 : index
    %get3A_338 = arith.constant 0 : index
    %get3A_339 = vector.load %arg4[%get3A_337, %get3A_338] : memref<2048x512xi32, #tpu.memory_space<vmem>>, vector<512x512xi32>
    %jit3A_340 = arith.constant 3 : i32
    %broadcast_in_dim3A_341 = vector.broadcast %jit3A_340 : i32 to vector<512x512xi32>
    %select_n3A_342 = arith.select %lt3A_332, %broadcast_in_dim3A_341, %get3A_339 : vector<512x512xi1>, vector<512x512xi32>
    %swap3A_343 = arith.constant 1536 : index
    %swap3A_344 = arith.constant 0 : index
    %swap3A_345 = vector.load %arg4[%swap3A_343, %swap3A_344] : memref<2048x512xi32, #tpu.memory_space<vmem>>, vector<512x512xi32>
    tpu.vector_store %arg4[%swap3A_343, %swap3A_344], %select_n3A_342 {strides = array<i32>} : memref<2048x512xi32, #tpu.memory_space<vmem>>, vector<512x512xi32>,
    %scan3A = arith.constant 4 : i32
    %scan3A_346 = arith.constant 12 : i32
    %scan3A_347 = arith.addi %scan3A, %scan3A_346 : i32
    %scan3A_348 = arith.constant 1 : i32
    scf.for %scan3A_383 = %scan3A to %scan3A_347 step %scan3A_348  : i32 {
      %mul3A_384 = arith.constant 512 : i32
      %mul3A_385 = arith.muli %scan3A_383, %mul3A_384 : i32
      %get3A_386 = arith.index_cast %mul3A_385 : i32 to index
      %get3A_387 = arith.constant 0 : index
      %get3A_388 = vector.load %arg0[%get3A_386, %get3A_387] : memref<8192x256xf32, #tpu.memory_space<vmem>>, vector<512x256xf32>
      %mul3A_389 = arith.mulf %get3A_388, %get3A_388 : vector<512x256xf32>
      %dot_general3A_390 = arith.constant dense<0.000000e+00> : vector<1x512xf32>
      %dot_general3A_391 = tpu.matmul %broadcast_in_dim3A_60, %mul3A_389, %dot_general3A_390 {dimension_numbers = #tpu.dot_dimension_numbers<[1], [1], [0], [0], [0, 0, 1, 0], [], []>, transpose_lhs_hint = false} : vector<1x256xf32>, vector<512x256xf32>, vector<1x512xf32> -> vector<1x512xf32>
      %dot_general3A_392 = arith.constant dense<0.000000e+00> : vector<2048x512xf32>
      %dot_general3A_393 = tpu.matmul %mul3A_3, %get3A_388, %dot_general3A_392 {dimension_numbers = #tpu.dot_dimension_numbers<[1], [1], [0], [0], [0, 0, 1, 0], [], []>, transpose_lhs_hint = false} : vector<2048x256xf32>, vector<512x256xf32>, vector<2048x512xf32> -> vector<2048x512xf32>
      %add3A_394 = vector.broadcast %dot_general3A_391 : vector<1x512xf32> to vector<2048x512xf32>
      %add3A_395 = arith.addf %dot_general3A_393, %add3A_394 : vector<2048x512xf32>
      %get3A_396 = arith.constant 0 : index
      %get3A_397 = arith.constant 0 : index
      %get3A_398 = vector.load %arg3[%get3A_396, %get3A_397] : memref<2048x512xf32, #tpu.memory_space<vmem>>, vector<2048x512xf32>
      %lt3A_399 = arith.cmpf olt, %add3A_395, %get3A_398 : vector<2048x512xf32>
      %select_n3A_400 = arith.select %lt3A_399, %add3A_395, %get3A_398 : vector<2048x512xi1>, vector<2048x512xf32>
      %swap3A_401 = arith.constant 0 : index
      %swap3A_402 = arith.constant 0 : index
      %swap3A_403 = vector.load %arg3[%swap3A_401, %swap3A_402] : memref<2048x512xf32, #tpu.memory_space<vmem>>, vector<2048x512xf32>
      tpu.vector_store %arg3[%swap3A_401, %swap3A_402], %select_n3A_400 {strides = array<i32>} : memref<2048x512xf32, #tpu.memory_space<vmem>>, vector<2048x512xf32>,
      %get3A_404 = arith.constant 0 : index
      %get3A_405 = arith.constant 0 : index
      %get3A_406 = vector.load %arg4[%get3A_404, %get3A_405] : memref<2048x512xi32, #tpu.memory_space<vmem>>, vector<2048x512xi32>
      %broadcast_in_dim3A_407 = vector.broadcast %scan3A_383 : i32 to vector<2048x512xi32>
      %select_n3A_408 = arith.select %lt3A_399, %broadcast_in_dim3A_407, %get3A_406 : vector<2048x512xi1>, vector<2048x512xi32>
      %swap3A_409 = arith.constant 0 : index
      %swap3A_410 = arith.constant 0 : index
      %swap3A_411 = vector.load %arg4[%swap3A_409, %swap3A_410] : memref<2048x512xi32, #tpu.memory_space<vmem>>, vector<2048x512xi32>
      tpu.vector_store %arg4[%swap3A_409, %swap3A_410], %select_n3A_408 {strides = array<i32>} : memref<2048x512xi32, #tpu.memory_space<vmem>>, vector<2048x512xi32>,
    }
    %scan3A_349 = arith.constant 12 : i32
    %get3A_350 = arith.constant 0 : index
    %get3A_351 = arith.constant 0 : index
    %get3A_352 = vector.load %arg3[%get3A_350, %get3A_351] : memref<2048x512xf32, #tpu.memory_space<vmem>>, vector<2048x512xf32>
    %iota3A_353 = tpu.iota {dimensions = array<i32: 1>} : vector<2048x512xi32>
    %reduce_min3A_354 = arith.constant dense<0x7F800000> : vector<2048xf32>
    %reduce_min3A_355 = vector.multi_reduction <minimumf>, %get3A_352, %reduce_min3A_354 [1] : vector<2048x512xf32> to vector<2048xf32>
    %broadcast_in_dim3A_356 = vector.shape_cast %reduce_min3A_355 : vector<2048xf32> to vector<2048x1xf32>
    %eq3A_357 = vector.broadcast %broadcast_in_dim3A_356 : vector<2048x1xf32> to vector<2048x512xf32>
    %eq3A_358 = arith.cmpf oeq, %get3A_352, %eq3A_357 : vector<2048x512xf32>
    %jit3A_359 = arith.constant 8192 : i32
    %broadcast_in_dim3A_360 = vector.broadcast %jit3A_359 : i32 to vector<2048x512xi32>
    %select_n3A_361 = arith.select %eq3A_358, %iota3A_353, %broadcast_in_dim3A_360 : vector<2048x512xi1>, vector<2048x512xi32>
    %reduce_min3A_362 = arith.constant dense<2147483647> : vector<2048xi32>
    %reduce_min3A_363 = vector.multi_reduction <minsi>, %select_n3A_361, %reduce_min3A_362 [1] : vector<2048x512xi32> to vector<2048xi32>
    %broadcast_in_dim3A_364 = vector.shape_cast %reduce_min3A_363 : vector<2048xi32> to vector<2048x1xi32>
    %eq3A_365 = vector.broadcast %broadcast_in_dim3A_364 : vector<2048x1xi32> to vector<2048x512xi32>
    %eq3A_366 = arith.cmpi eq, %iota3A_353, %eq3A_365 : vector<2048x512xi32>
    %get3A_367 = arith.constant 0 : index
    %get3A_368 = arith.constant 0 : index
    %get3A_369 = vector.load %arg4[%get3A_367, %get3A_368] : memref<2048x512xi32, #tpu.memory_space<vmem>>, vector<2048x512xi32>
    %jit3A_370 = arith.constant 0 : i32
    %broadcast_in_dim3A_371 = vector.broadcast %jit3A_370 : i32 to vector<2048x512xi32>
    %select_n3A_372 = arith.select %eq3A_366, %get3A_369, %broadcast_in_dim3A_371 : vector<2048x512xi1>, vector<2048x512xi32>
    %reduce_sum3A = arith.constant dense<0> : vector<2048xi32>
    %reduce_sum3A_373 = vector.multi_reduction <add>, %select_n3A_372, %reduce_sum3A [1] : vector<2048x512xi32> to vector<2048xi32>
    %broadcast_in_dim3A_374 = vector.shape_cast %reduce_sum3A_373 : vector<2048xi32> to vector<2048x1xi32>
    %mul3A_375 = arith.constant 512 : i32
    %mul3A_376 = vector.broadcast %mul3A_375 : i32 to vector<2048x1xi32>
    %mul3A_377 = arith.muli %broadcast_in_dim3A_374, %mul3A_376 : vector<2048x1xi32>
    %add3A_378 = arith.addi %mul3A_377, %broadcast_in_dim3A_364 : vector<2048x1xi32>
    %reshape3A_379 = vector.shape_cast %add3A_378 : vector<2048x1xi32> to vector<16x128xi32>
    %swap3A_380 = arith.constant 0 : index
    %swap3A_381 = arith.constant 0 : index
    %swap3A_382 = vector.load %arg2[%swap3A_380, %swap3A_381] : memref<16x128xi32, #tpu.memory_space<vmem>>, vector<16x128xi32>
    tpu.vector_store %arg2[%swap3A_380, %swap3A_381], %reshape3A_379 {strides = array<i32>} : memref<16x128xi32, #tpu.memory_space<vmem>>, vector<16x128xi32>,
    return
  }
}

</mosaic_0001>

<sc_bundles>
// kernel: kernel.4.cloned.1.call-start
scs
__scs_entry_jumppad:
0x0: {  	(pc) =	sbr.rel $0x88, $3  }
0x1: {  	(tag) =	ssettag $0x0;
	lr =	simm.s32 $0x1  }
0x2: {  	[smem:$0x3FA0] =	sst lr;
	_ =	strace $0xD0000000  }
0x3: {  	_ = 	snop  }
0x4: {  	_ = 	snop  }
0x5: {  	_ = 	snop  }
0x6: {  	_ = 	snop  }
0x7: {  	_ = 	snop  }
__scs_overlays_trampoline_lowered:
0x8: {  	[smem:$0x3FAF] =	sst s0  }
0x9: {  	[smem:$0x3FB0] =	sst s1  }
0xa: {  	[smem:$0x3FB1] =	sst s2  }
0xb: {  	[smem:$0x3FB2] =	sst s3  }
0xc: {  	[smem:$0x3FB3] =	sst s4  }
0xd: {  	[smem:$0x3FB4] =	sst s5  }
0xe: {  	[smem:$0x3FB5] =	sst s6  }
0xf: {  	[smem:$0x3FB6] =	sst s7  }
0x10: {  	[smem:$0x3FB7] =	sst s8  }
0x11: {  	[smem:$0x3FB8] =	sst s9;
	s0 =	simm.s32 @!p0 $0x0  }
0x12: {  	s1 =	sld [smem:$0x3F9E];
	s0 =	simm.s32 @p0 $0x1  }
0x13: {  	[smem:$0x3FB9] =	sst s0;
	s0 =	simm.s32 @!p1 $0x0  }
0x14: {  	s2 =	sld [smem:$0x3F9D];
	s0 =	simm.s32 @p1 $0x1  }
0x15: {  	[smem:$0x3FBA] =	sst s0;
	s0 =	simm.s32 @!p2 $0x0  }
0x16: {  	s3 =	sld [smem:$0x3FDB];
	s0 =	simm.s32 @p2 $0x1  }
0x17: {  	s4 =	simm.s32 $0x1BF5;
	[smem:$0x3FBC] =	sst s0  }
0x18: {  	s0 =	sld [smem:$0x3F9F];
	_ =	swait.ge [sflag:s4], $0x0  }
0x19: {  	s7 =	sld [smem:$0x3FA0]  }
0x1a: {  	s8 =	sadd.s32 $0xFFFFE003, lr  }
0x1b: {  	s9 =	sadd.s32 $0xFFFFFEF7, lr;
	s5 =	simm.s32 $0xFFFFFFFF;
	p2 =	slt.u32 s8, $0xFFFFF086  }
0x1c: {  	p1 =	slt.u32 s9, $0xF7A;
	s5 =	simm.s32 @!p2 $0x0  }
0x1d: {  	s5 =	simm.s32 @p1 $0x1;
	p0 =	seq.s32 s7, s2  }
0x1e: {  	s7 =	smul.u32 @!p0 $0xF7A, s2;
	p2 =	seq.s32 @!p0 s5, $0x0  }
0x1f: {  	s9 =	smul.u32 $0xF7A, s1;
	s8 =	simm.s32 @!p0 $0x1BF5;
	p2 =	por !p2, p0  }
0x20: {  	[sflag:s8] =	ssyncset.s32 @!p0 $0xFFFFF086;
	s6 =	sadd.s32 @!p0 s3, s7;
	s7 =	simm.s32 @!p0 $0x108  }
0x21: {  	s3 =	sadd.s32 s3, s9;
	s6 =	sadd.s32 @!p0 $0x88, s6;
	s7 =	simm.s32 @p2 $0x1082  }
0x22: {  	[simem:s7], [sflag:s8] =	dma.local @!p0 [hbm:s6], $0xF7A  }
0x23: {  	s9 =	sor.u32 $0xD0000000, s2;
	s6 =	simm.s32 $0x108;
	_ =	swait.ge @!p0 [sflag:s8], $0x0  }
0x24: {  	s3 =	sadd.s32 $0x88, s3;
	s6 =	simm.s32 @!p1 $0x1082;
	[sflag:s4] =	ssyncset.s32 $0xFFFFF086  }
0x25: {  	[simem:s6], [sflag:s4] =	dma.local [hbm:s3], $0xF7A  }
0x26: {  	[smem:$0x3FA0] =	sst s1;
	(tag) =	ssettag s2;
	_ =	strace s9  }
0x27: {  	s1 =	sld [smem:$0x3FB0]  }
0x28: {  	s2 =	sld [smem:$0x3FB1]  }
0x29: {  	s4 =	sld [smem:$0x3FB3]  }
0x2a: {  	p0 =	seq.s32 s5, $0x0;
	s5 =	sld [smem:$0x3FB4]  }
0x2b: {  	s6 =	sld [smem:$0x3FB5]  }
0x2c: {  	s7 =	sld [smem:$0x3FB6]  }
0x2d: {  	s3 =	simm.s32 $0x108;
	s8 =	sld [smem:$0x3FB7]  }
0x2e: {  	s3 =	simm.s32 @!p0 $0x1082;
	s9 =	sld [smem:$0x3FB8]  }
0x2f: {  	lr =	sadd.s32 s0, s3;
	s0 =	sld [smem:$0x3FAF]  }
0x30: {  	s3 =	sld [smem:$0x3FB2]  }
0x31: {  	[smem:$0x3FBB] =	sst s10  }
0x32: {  	s10 =	sld [smem:$0x3FB9];
	_ =	sdelay $0x3  }
0x33: {  	p0 =	seq.s32 s10, $0x1;
	s10 =	sld [smem:$0x3FBB];
	_ =	sdelay $0x3  }
0x34: {  	[smem:$0x3FBB] =	sst s10  }
0x35: {  	s10 =	sld [smem:$0x3FBA];
	_ =	sdelay $0x3  }
0x36: {  	p1 =	seq.s32 s10, $0x1;
	s10 =	sld [smem:$0x3FBB];
	_ =	sdelay $0x3  }
0x37: {  	[smem:$0x3FBB] =	sst s10  }
0x38: {  	s10 =	sld [smem:$0x3FBC]  }
0x39: {  	_ = 	snop;
	(pc) =	sbr.ind lr, $3  }
0x3a: {  	_ = 	snop  }
0x3b: {  	_ = 	snop  }
0x3c: {  	p2 =	seq.s32 s10, $0x1;
	s10 =	sld [smem:$0x3FBB]  }
0x3d: {  	_ =	shalt  }
0x3e: {  	_ =	shalt  }
0x3f: {  	_ =	shalt  }
0x40: {  	_ =	shalt  }
0x41: {  	_ =	shalt  }
0x42: {  	_ =	shalt  }
0x43: {  	_ =	shalt  }
0x44: {  	_ =	shalt  }
0x45: {  	_ =	shalt  }
0x46: {  	_ =	shalt  }
0x47: {  	_ =	shalt  }
0x48: {  	_ =	shalt  }
0x49: {  	_ =	shalt  }
0x4a: {  	_ =	shalt  }
0x4b: {  	_ =	shalt  }
0x4c: {  	_ =	shalt  }
0x4d: {  	_ =	shalt  }
0x4e: {  	_ =	shalt  }
0x4f: {  	_ =	shalt  }
0x50: {  	_ =	shalt  }
0x51: {  	_ =	shalt  }
0x52: {  	_ =	shalt  }
0x53: {  	_ =	shalt  }
0x54: {  	_ =	shalt  }
0x55: {  	_ =	shalt  }
0x56: {  	_ =	shalt  }
0x57: {  	_ =	shalt  }
0x58: {  	_ =	shalt  }
0x59: {  	_ =	shalt  }
0x5a: {  	_ =	shalt  }
0x5b: {  	_ =	shalt  }
0x5c: {  	_ =	shalt  }
0x5d: {  	_ =	shalt  }
0x5e: {  	_ =	shalt  }
0x5f: {  	_ =	shalt  }
0x60: {  	_ =	shalt  }
0x61: {  	_ =	shalt  }
0x62: {  	_ =	shalt  }
0x63: {  	_ =	shalt  }
0x64: {  	_ =	shalt  }
0x65: {  	_ =	shalt  }
0x66: {  	_ =	shalt  }
0x67: {  	_ =	shalt  }
0x68: {  	_ =	shalt  }
0x69: {  	_ =	shalt  }
0x6a: {  	_ =	shalt  }
0x6b: {  	_ =	shalt  }
0x6c: {  	_ =	shalt  }
0x6d: {  	_ =	shalt  }
0x6e: {  	_ =	shalt  }
0x6f: {  	_ =	shalt  }
0x70: {  	_ =	shalt  }
0x71: {  	_ =	shalt  }
0x72: {  	_ =	shalt  }
0x73: {  	_ =	shalt  }
0x74: {  	_ =	shalt  }
0x75: {  	_ =	shalt  }
0x76: {  	_ =	shalt  }
0x77: {  	_ =	shalt  }
0x78: {  	_ =	shalt  }
0x79: {  	_ =	shalt  }
0x7a: {  	_ =	shalt  }
0x7b: {  	_ =	shalt  }
0x7c: {  	_ =	shalt  }
0x7d: {  	_ =	shalt  }
0x7e: {  	_ =	shalt  }
0x7f: {  	_ =	shalt  }
0x80: {  	_ =	shalt  }
0x81: {  	_ =	shalt  }
0x82: {  	_ =	shalt  }
0x83: {  	_ =	shalt  }
0x84: {  	_ =	shalt  }
0x85: {  	_ =	shalt  }
0x86: {  	_ =	shalt  }
0x87: {  	_ =	shalt  }
.Lfunc_end0:
.L_simem_size_0:
called_computation_lowered:
.L_overlay_start_0:
0x88: {  	s2 =	sld [smem:$0x3FD9]  }
0x89: {  	s3 =	sld [smem:$0x3FFE];
	_ =	sdelay $0x1  }
0x8a: {  	s1 =	srdreg.scid  }
0x8b: {  	s0 =	sand.u32 $0x1, s1  }
0x8c: {  	s17 =	sshll.u32 s0, $0xA;
	s2 =	sadd.s32 s3, s2  }
0x8d: {  	s2 =	sadd.s32 s2, s17  }
0x8e: {  	[smem:$0x3FC7] =	sst s2  }
0x8f: {  	_ = 	snop  }
0x90: {  	s2 =	sld [smem:$0x3FC9]  }
0x91: {  	s18 =	sld [smem:$0x3FD0];
	(tm) =	ssettm $0x1  }
0x92: {  	s4 =	sld [smem:$0x3FFB];
	_ =	sdelay $0x3  }
0x93: {  	_ =	strace s4  }
0x94: {  	s4 =	sld [smem:$0x3FFC];
	_ =	sdelay $0x3  }
0x95: {  	_ =	strace s4  }
0x96: {  	s4 =	sld [smem:$0x3FFD];
	_ =	sdelay $0x3  }
0x97: {  	_ =	strace s4  }
0x98: {  	_ =	strace $0x8FFFFFFF  }
0x99: {  	s19 =	sld [smem:$0x3FDB];
	_ =	sdelay $0x1  }
0x9a: {  	s5 =	simm.s32 $_scs_section_size  }
0x9b: {  	s6 =	simm.s32 $_size__tile_overlayer_lowered;
	s7 =	simm.s32 $_tile_overlayer_lowered  }
0x9c: {  	s22 =	simm.s32 $0x1BFF;
	s21 =	sshll.u32 s7, $0x1;
	s4 =	sadd.s32 s5, s19  }
0x9d: {  	s8 =	simm.s32 $0x0;
	s20 =	sshll.u32 s6, $0x1;
	s6 =	sadd.s32 s21, s4  }
0x9e: {  	[timem:s8], [sflag:s22] =	dma.local [hbm:s6], s20  }
0x9f: {  	_ =	swait.ge [sflag:s22], s20  }
0xa0: {  	s5 =	ssub.s32 $0x0, s20;
	[sflag:s22] =	ssyncset.done $0x0  }
0xa1: {  	[sflag:s22] =	ssyncadd.s32 s5;
	_ =	sdelay $0x1  }
0xa2: {  	s23 =	simm.s32 $0x1B8B  }
0xa3: {  	_ =	swait.ge [sflag:s23], $0x1  }
0xa4: {  	[sflag:s23] =	ssyncset.done $0x0  }
0xa5: {  	s25 =	simm.s32 $0x1B8E;
	s24 =	sld [smem:$0x3FFE];
	[sflag:s23] =	ssyncadd.s32 $0xFFFFFFFF  }
0xa6: {  	s26 =	simm.s32 $execute0_lowered;
	[smem:$0x3FD2] =	sst s25  }
0xa7: {  	s6 =	sshll.u32 s26, $0x1;
	_ =	strace $0x80000046;
	[dreg:$0x1] =	wrdreg $0xFFFFFFFF  }
0xa8: {  	s28 =	simm.s32 $_size_execute0_lowered;
	s4 =	sadd.s32 s4, s6;
	[dreg:$0x0] =	wrdreg $0x0  }
0xa9: {  	s6 =	sshll.u32 s28, $0x1;
	[dreg:$0x2] =	wrdreg s4  }
0xaa: {  	[dreg:$0x3] =	wrdreg s6  }
0xab: {  	[dreg:$0x4] =	wrdreg $0xC0  }
0xac: {  	_ =	task [dreg:s8], $0x5FFFF  }
0xad: {  	[dreg:$0x1] =	wrdreg $0xFFFFFFFF  }
0xae: {  	[dreg:$0x0] =	wrdreg $0x60  }
0xaf: {  	[dreg:$0x2] =	wrdreg s2  }
0xb0: {  	[dreg:$0x3] =	wrdreg s24  }
0xb1: {  	[dreg:$0x4] =	wrdreg s18  }
0xb2: {  	[dreg:$0x5] =	wrdreg $0x9  }
0xb3: {  	_ =	task.clear_ibuf [dreg:s8], $0x6FFFF;
	_ =	strace $0x90000046  }
0xb4: {  	s29 =	simm.s32 $0x9;
	_ =	strace $0x8000004C  }
0xb5: {  	_ =	swait.ge [sflag:s29], $0x1  }
0xb6: {  	[sflag:s29] =	ssyncadd.s32 $0xFFFFFFFF  }
0xb7: {  	_ =	strace $0x9000004C  }
0xb8: {  	_ =	sfence  }
0xb9: {  	s30 =	sld [smem:$0x0];
	_ =	sdelay $0x2  }
0xba: {  	s31 =	sshll.u32 s1, $0xD;
	s1 =	sshrl.u32 s1, $0x2  }
0xbb: {  	s3 =	sand.u32 $0x4000, s31;
	s1 =	sadd.s32 s1, s30  }
0xbc: {  	s0 =	sor.u32 s3, s0;
	s1 =	sshll.u32 s1, $0x11  }
0xbd: {  	s0 =	sor.u32 s1, s0  }
0xbe: {  	s0 =	sadd.s32 $0x8F2B, s0  }
0xbf: {  	[sflag:s0] =	ssyncadd.remote.s32 $0x1  }
0xc0: {  	_ =	sfence.sel $0xFFFF  }
0xc1: {  	[dreg:$0x0] =	wrdreg $0xFFFFFFFF;
	(pc) =	sbr.abs _section_cstart, $3  }
0xc2: {  	[dreg:$0x1] =	wrdreg $0xFFFFFFFF  }
0xc3: {  	_ =	task.clear_ibuf [dreg:s8], $0x2FFFF;
	_ =	strace $0x9FFFFFFF  }
0xc4: {  	(tm) =	ssettm $0x7FFFFFFF  }
0xc5: {  	_ =	shalt  }
tec
execute0_lowered:
.L_overlay_start_1:
0x0: {  	(tag) =	ssettag $0x1  }
0x1: {  	v0 =	vimm.s32 $0xB80  }
0x2: {  	vm15 =	vcmask $0x300;
	vm14 =	vcmask $0x704;
	vm13 =	vcmask $0xB08  }
0x3: {  	vm12 =	vcmask $0xF0C;
	vm11 =	vcmask $0x1310;
	vm10 =	vcmask $0x1714  }
0x4: {  	vm9 =	vcmask $0x1B18;
	vm8 =	vcmask $0x1F1C;
	vm7 =	vcmask $0x2320  }
0x5: {  	vm6 =	vcmask $0x2724;
	vm5 =	vcmask $0x2B28;
	vm4 =	vcmask $0x2F2C  }
0x6: {  	vm2 =	vcmask $0x3330;
	vm3 =	vcmask $0x3734;
	vm1 =	vcmask $0x3B38  }
0x7: {  	vm0 =	vmmov $0xffff;
	v5 =	vimm.s32 $0x1B80;
	v6 =	vimm.s32 $0x2B80  }
0x8: {  	v7 =	vimm.s32 $0x3B80;
	v0 =	vsel vm15, $0x0, v0;
	v5 =	vsel vm15, $0x1000, v5  }
0x9: {  	v6 =	vsel vm15, $0x2000, v6;
	v7 =	vsel vm15, $0x3000, v7;
	v0 =	vsel vm14, $0x80, v0  }
0xa: {  	v5 =	vsel vm14, $0x1080, v5;
	v6 =	vsel vm14, $0x2080, v6;
	v7 =	vsel vm14, $0x3080, v7  }
0xb: {  	v0 =	vsel vm13, $0x100, v0;
	v5 =	vsel vm13, $0x1100, v5;
	v6 =	vsel vm13, $0x2100, v6  }
0xc: {  	v7 =	vsel vm13, $0x3100, v7;
	v0 =	vsel vm12, $0x180, v0;
	v5 =	vsel vm12, $0x1180, v5  }
0xd: {  	v6 =	vsel vm12, $0x2180, v6;
	v7 =	vsel vm12, $0x3180, v7;
	v0 =	vsel vm11, $0x200, v0  }
0xe: {  	s0 =	rddreg [dreg:$0x0];
	s1 =	srdreg.scid;
	v5 =	vsel vm11, $0x1200, v5;
	v6 =	vsel vm11, $0x2200, v6;
	v7 =	vsel vm11, $0x3200, v7  }
0xf: {  	s2 =	rddreg [dreg:$0x1];
	s3 =	stileid.u32;
	v0 =	vsel vm10, $0x280, v0;
	v5 =	vsel vm10, $0x1280, v5;
	v6 =	vsel vm10, $0x2280, v6  }
0x10: {  	s7 =	rddreg [dreg:$0x2];
	s9 =	simm.s32 $0x3;
	s10 =	simm.s32 $0x80;
	v7 =	vsel vm10, $0x3280, v7;
	v0 =	vsel vm9, $0x300, v0;
	v5 =	vsel vm9, $0x1300, v5  }
0x11: {  	s11 =	simm.s32 $0x4100;
	s12 =	simm.s32 $0x4900;
	s13 =	simm.s32 $0x5100;
	v6 =	vsel vm9, $0x2300, v6;
	v7 =	vsel vm9, $0x3300, v7;
	v0 =	vsel vm8, $0x380, v0  }
0x12: {  	s14 =	simm.s32 $0x5900;
	s15 =	simm.s32 $0x6100;
	s16 =	simm.s32 $0x6900;
	v5 =	vsel vm8, $0x1380, v5;
	v6 =	vsel vm8, $0x2380, v6;
	v7 =	vsel vm8, $0x3380, v7  }
0x13: {  	s17 =	simm.s32 $0x7100;
	s18 =	simm.s32 $0x7900;
	s19 =	simm.s32 $0x8100;
	v0 =	vsel vm7, $0x800, v0;
	v5 =	vsel vm7, $0x1800, v5;
	v6 =	vsel vm7, $0x2800, v6  }
0x14: {  	s20 =	simm.s32 $0x8900;
	s21 =	simm.s32 $0x9100;
	s22 =	simm.s32 $0x9900;
	v7 =	vsel vm7, $0x3800, v7;
	v1 =	vsel vm6, $0x880, v0;
	v0 =	vlaneseq.u32  }
0x15: {  	s23 =	simm.s32 $0xA100;
	s24 =	simm.s32 $0xA900;
	s25 =	simm.s32 $0xB100;
	v5 =	vsel vm6, $0x1880, v5;
	v6 =	vsel vm6, $0x2880, v6;
	v7 =	vsel vm6, $0x3880, v7  }
0x16: {  	s28 =	simm.s32 $0x100;
	s29 =	simm.s32 $0x1;
	s30 =	simm.s32 $0x2;
	v2 =	vsel vm5, $0x900, v1;
	v1 =	vand.u32 $0x7, v0;
	v3 =	vshrl.u32 v0, $0x3  }
0x17: {  	s31 =	simm.s32 $0xC100;
	s1 =	sand.u32 $0x1, s1;
	s4 =	sshll.u32 s3, $0x7;
	v5 =	vsel vm5, $0x1900, v5;
	v6 =	vsel vm5, $0x2900, v6;
	v7 =	vsel vm5, $0x3900, v7  }
0x18: {  	s3 =	simm.s32 $0x0;
	s5 =	sshll.u32 s1, $0x6;
	s1 =	ssub.s32 $0x2, s1;
	v2 =	vsel vm4, $0x980, v2;
	v5 =	vsel vm4, $0x1980, v5;
	v6 =	vsel vm4, $0x2980, v6  }
0x19: {  	[smem:$0x7FF] =	sst s3;
	s5 =	sor.u32 s5, s4;
	s26 =	sshrl.u32 s1, $0x1;
	v7 =	vsel vm4, $0x3980, v7;
	v4 =	vsel vm2, $0xA00, v2;
	v2 =	vmul.u32 $0x8, v3  }
0x1a: {  	_ =	strace $0x80000047;
	s8 =	sshrl.u32 s5, $0x3;
	s1 =	ssub.s32 s1, s26;
	v3 =	vor.u32 $0x8, v0;
	v5 =	vsel vm2, $0x1A00, v5;
	v6 =	vsel vm2, $0x2A00, v6  }
0x1b: {  	s6 =	sshll.u32 s5, $0x5;
	s26 =	simm.s32 $0xB900;
	s2 =	sadd.s32 s8, s2;
	v7 =	vsel vm2, $0x3A00, v7;
	v4 =	vsel vm3, $0xA80, v4;
	v5 =	vsel vm3, $0x1A80, v5  }
0x1c: {  	s6 =	sadd.s32 s0, s6;
	s7 =	sadd.s32 s7, s8;
	s8 =	smax.u32 s1, $0x1;
	v6 =	vsel vm3, $0x2A80, v6;
	v7 =	vsel vm3, $0x3A80, v7;
	v4 =	vsel vm1, $0xB00, v4  }
0x1d: {  	s4 =	sadd.s32 $0xC00, s2;
	s5 =	sadd.s32 $0xE00, s2;
	s2 =	simm.s32 $0x0;
	v5 =	vsel vm1, $0x1B00, v5;
	v6 =	vsel vm1, $0x2B00, v6;
	v7 =	vsel vm1, $0x3B00, v7  }
.LBB2_1:
0x1e: {  	_ =	strace $0x80000048  }
0x1f: {  	[tilespmem:s3], [sflag:$0x3] =	stream.linear.gather [hbm4b:s4+s3], $0x40, $0x200038;
	[tilespmem:$0xC180] =	vst v63  }
0x20: {  	_ =	swait.ge [sflag:s9], $0x40  }
0x21: {  	[sflag:s9] =	ssyncset.done $0x0  }
0x22: {  	[sflag:s9] =	ssyncadd.s32 $0xFFFFFFC0  }
0x23: {  	[tilespmem:s10], [sflag:$0x3] =	stream.linear.gather [hbm4b:s5+s3], $0x40, $0x200038;
	[tilespmem:$0xC180] =	vst v63  }
0x24: {  	_ =	swait.ge [sflag:s9], $0x40  }
0x25: {  	[sflag:s9] =	ssyncset.done $0x0  }
0x26: {  	[sflag:s9] =	ssyncadd.s32 $0xFFFFFFC0  }
0x27: {  	_ =	strace $0x90000048  }
0x28: {  	_ =	strace $0x80000049  }
0x29: {  	v8 =	vld [tilespmem:$0x0];
	_ =	sdelay $0x4  }
0x2a: {  	v9 =	vshll.u32 v8, $0x1  }
0x2b: {  	v8 =	vand.u32 $0x7, v8;
	v9 =	vand.u32 $0xFFFFFFF0, v9  }
0x2c: {  	v8 =	vor.u32 v8, v9  }
0x2d: {  	v9 =	vperm.xlane v8, v1;
	_ =	sdelay $0x1  }
0x2e: {  	v8 =	vperm.xlane v8, v3;
	v9 =	vadd.s32 v2, v9;
	_ =	sdelay $0x1  }
0x2f: {  	v8 =	vadd.s32 v2, v8;
	_ =	sdelay $0x2  }
0x30: {  	[tilespmem:s11], [sflag:$0x1] =	stream.indirect_vreg.gather [hbm4b:s0+s3], $0x80, v9, vm0, $0x2000b8;
	[tilespmem:$0xC180] =	vst v63  }
0x31: {  	_ = 	snop  }
0x32: {  	[tilespmem:s12], [sflag:$0x1] =	stream.indirect_vreg.gather [hbm4b:s0+s3], $0x80, v8, vm0, $0x2000b8;
	[tilespmem:$0xC180] =	vst v63  }
0x33: {  	v8 =	vld [tilespmem:$0x10];
	_ =	sdelay $0x4  }
0x34: {  	v9 =	vshll.u32 v8, $0x1  }
0x35: {  	v8 =	vand.u32 $0x7, v8;
	v9 =	vand.u32 $0xFFFFFFF0, v9  }
0x36: {  	v8 =	vor.u32 v8, v9  }
0x37: {  	v9 =	vperm.xlane v8, v1;
	_ =	sdelay $0x1  }
0x38: {  	v8 =	vperm.xlane v8, v3;
	v9 =	vadd.s32 v2, v9;
	_ =	sdelay $0x1  }
0x39: {  	v8 =	vadd.s32 v2, v8;
	_ =	sdelay $0x2  }
0x3a: {  	[tilespmem:s13], [sflag:$0x1] =	stream.indirect_vreg.gather [hbm4b:s0+s3], $0x80, v9, vm0, $0x2000b8;
	[tilespmem:$0xC180] =	vst v63  }
0x3b: {  	_ = 	snop  }
0x3c: {  	[tilespmem:s14], [sflag:$0x1] =	stream.indirect_vreg.gather [hbm4b:s0+s3], $0x80, v8, vm0, $0x2000b8;
	[tilespmem:$0xC180] =	vst v63  }
0x3d: {  	v8 =	vld [tilespmem:$0x20];
	_ =	sdelay $0x4  }
0x3e: {  	v9 =	vshll.u32 v8, $0x1  }
0x3f: {  	v8 =	vand.u32 $0x7, v8;
	v9 =	vand.u32 $0xFFFFFFF0, v9  }
0x40: {  	v8 =	vor.u32 v8, v9  }
0x41: {  	v9 =	vperm.xlane v8, v1;
	_ =	sdelay $0x1  }
0x42: {  	v8 =	vperm.xlane v8, v3;
	v9 =	vadd.s32 v2, v9;
	_ =	sdelay $0x1  }
0x43: {  	v8 =	vadd.s32 v2, v8;
	_ =	sdelay $0x2  }
0x44: {  	[tilespmem:s15], [sflag:$0x1] =	stream.indirect_vreg.gather [hbm4b:s0+s3], $0x80, v9, vm0, $0x2000b8;
	[tilespmem:$0xC180] =	vst v63  }
0x45: {  	_ = 	snop  }
0x46: {  	[tilespmem:s16], [sflag:$0x1] =	stream.indirect_vreg.gather [hbm4b:s0+s3], $0x80, v8, vm0, $0x2000b8;
	[tilespmem:$0xC180] =	vst v63  }
0x47: {  	v8 =	vld [tilespmem:$0x30];
	_ =	sdelay $0x4  }
0x48: {  	v9 =	vshll.u32 v8, $0x1  }
0x49: {  	v8 =	vand.u32 $0x7, v8;
	v9 =	vand.u32 $0xFFFFFFF0, v9  }
0x4a: {  	v8 =	vor.u32 v8, v9  }
0x4b: {  	v9 =	vperm.xlane v8, v1;
	_ =	sdelay $0x1  }
0x4c: {  	v8 =	vperm.xlane v8, v3;
	v9 =	vadd.s32 v2, v9;
	_ =	sdelay $0x1  }
0x4d: {  	v8 =	vadd.s32 v2, v8;
	_ =	sdelay $0x2  }
0x4e: {  	[tilespmem:s17], [sflag:$0x1] =	stream.indirect_vreg.gather [hbm4b:s0+s3], $0x80, v9, vm0, $0x2000b8;
	[tilespmem:$0xC180] =	vst v63  }
0x4f: {  	_ = 	snop  }
0x50: {  	[tilespmem:s18], [sflag:$0x1] =	stream.indirect_vreg.gather [hbm4b:s0+s3], $0x80, v8, vm0, $0x2000b8;
	[tilespmem:$0xC180] =	vst v63  }
0x51: {  	v8 =	vld [tilespmem:$0x80];
	_ =	sdelay $0x4  }
0x52: {  	v9 =	vshll.u32 v8, $0x1  }
0x53: {  	v8 =	vand.u32 $0x7, v8;
	v9 =	vand.u32 $0xFFFFFFF0, v9  }
0x54: {  	v8 =	vor.u32 v8, v9  }
0x55: {  	v9 =	vperm.xlane v8, v1;
	_ =	sdelay $0x1  }
0x56: {  	v8 =	vperm.xlane v8, v3;
	v9 =	vadd.s32 v2, v9;
	_ =	sdelay $0x1  }
0x57: {  	v8 =	vadd.s32 v2, v8;
	_ =	sdelay $0x2  }
0x58: {  	[tilespmem:s19], [sflag:$0x2] =	stream.indirect_vreg.gather [hbm4b:s0+s3], $0x80, v9, vm0, $0x2000b8;
	[tilespmem:$0xC180] =	vst v63  }
0x59: {  	_ = 	snop  }
0x5a: {  	[tilespmem:s20], [sflag:$0x2] =	stream.indirect_vreg.gather [hbm4b:s0+s3], $0x80, v8, vm0, $0x2000b8;
	[tilespmem:$0xC180] =	vst v63  }
0x5b: {  	v8 =	vld [tilespmem:$0x90];
	_ =	sdelay $0x4  }
0x5c: {  	v9 =	vshll.u32 v8, $0x1  }
0x5d: {  	v8 =	vand.u32 $0x7, v8;
	v9 =	vand.u32 $0xFFFFFFF0, v9  }
0x5e: {  	v8 =	vor.u32 v8, v9  }
0x5f: {  	v9 =	vperm.xlane v8, v1;
	_ =	sdelay $0x1  }
0x60: {  	v8 =	vperm.xlane v8, v3;
	v9 =	vadd.s32 v2, v9;
	_ =	sdelay $0x1  }
0x61: {  	v8 =	vadd.s32 v2, v8;
	_ =	sdelay $0x2  }
0x62: {  	[tilespmem:s21], [sflag:$0x2] =	stream.indirect_vreg.gather [hbm4b:s0+s3], $0x80, v9, vm0, $0x2000b8;
	[tilespmem:$0xC180] =	vst v63  }
0x63: {  	_ = 	snop  }
0x64: {  	[tilespmem:s22], [sflag:$0x2] =	stream.indirect_vreg.gather [hbm4b:s0+s3], $0x80, v8, vm0, $0x2000b8;
	[tilespmem:$0xC180] =	vst v63  }
0x65: {  	v8 =	vld [tilespmem:$0xA0];
	_ =	sdelay $0x4  }
0x66: {  	v9 =	vshll.u32 v8, $0x1  }
0x67: {  	v8 =	vand.u32 $0x7, v8;
	v9 =	vand.u32 $0xFFFFFFF0, v9  }
0x68: {  	v8 =	vor.u32 v8, v9  }
0x69: {  	v9 =	vperm.xlane v8, v1;
	_ =	sdelay $0x1  }
0x6a: {  	v8 =	vperm.xlane v8, v3;
	v9 =	vadd.s32 v2, v9;
	_ =	sdelay $0x1  }
0x6b: {  	v8 =	vadd.s32 v2, v8;
	_ =	sdelay $0x2  }
0x6c: {  	[tilespmem:s23], [sflag:$0x2] =	stream.indirect_vreg.gather [hbm4b:s0+s3], $0x80, v9, vm0, $0x2000b8;
	[tilespmem:$0xC180] =	vst v63  }
0x6d: {  	_ = 	snop  }
0x6e: {  	[tilespmem:s24], [sflag:$0x2] =	stream.indirect_vreg.gather [hbm4b:s0+s3], $0x80, v8, vm0, $0x2000b8;
	[tilespmem:$0xC180] =	vst v63  }
0x6f: {  	v8 =	vld [tilespmem:$0xB0];
	_ =	sdelay $0x4  }
0x70: {  	v9 =	vshll.u32 v8, $0x1  }
0x71: {  	v8 =	vand.u32 $0x7, v8;
	v9 =	vand.u32 $0xFFFFFFF0, v9  }
0x72: {  	v8 =	vor.u32 v8, v9  }
0x73: {  	v9 =	vperm.xlane v8, v1;
	_ =	sdelay $0x1  }
0x74: {  	v8 =	vperm.xlane v8, v3;
	v9 =	vadd.s32 v2, v9;
	_ =	sdelay $0x1  }
0x75: {  	v8 =	vadd.s32 v2, v8;
	_ =	sdelay $0x2  }
0x76: {  	[tilespmem:s25], [sflag:$0x2] =	stream.indirect_vreg.gather [hbm4b:s0+s3], $0x80, v9, vm0, $0x2000b8;
	[tilespmem:$0xC180] =	vst v63  }
0x77: {  	_ = 	snop  }
0x78: {  	[tilespmem:s26], [sflag:$0x2] =	stream.indirect_vreg.gather [hbm4b:s0+s3], $0x80, v8, vm0, $0x2000b8;
	[tilespmem:$0xC180] =	vst v63  }
0x79: {  	_ = 	snop  }
0x7a: {  	[tilespmem:s28], [sflag:$0x3] =	stream.linear.gather [hbm4b:s6+s3], $0x4000, $0x200038;
	[tilespmem:$0xC180] =	vst v63  }
0x7b: {  	_ =	swait.ge [sflag:s9], $0x4000  }
0x7c: {  	[sflag:s9] =	ssyncset.done $0x0  }
0x7d: {  	v8 =	vadd.s32 s3, v0;
	[sflag:s9] =	ssyncadd.s32 $0xFFFFC000  }
0x7e: {  	v9 =	vshll.u32 v8, $0x3;
	_ =	swait.ge [sflag:s29], $0x4000  }
0x7f: {  	v8 =	vand.u32 $0x7F, v8;
	v9 =	vand.u32 $0x400, v9;
	[sflag:s29] =	ssyncset.done $0x0  }
0x80: {  	v8 =	vor.u32 v8, v9;
	[sflag:s29] =	ssyncadd.s32 $0xFFFFC000  }
0x81: {  	v9 =	vor.u32 v7, v8;
	_ =	swait.ge [sflag:s30], $0x4000  }
0x82: {  	[sflag:s30] =	ssyncset.done $0x0  }
0x83: {  	v11 =	vor.u32 v4, v8;
	[sflag:s30] =	ssyncadd.s32 $0xFFFFC000  }
0x84: {  	_ =	strace $0x90000049  }
0x85: {  	_ =	strace $0x8000004A  }
0x86: {  	v12 =	vor.u32 v5, v8;
	v10 =	vld.idx.msk [tilespmem:v9+s28+$0x0], $0xffff  }
0x87: {  	v13 =	vld.idx.msk [tilespmem:v9+s19+$0x0], $0xffff  }
0x88: {  	s1 =	simm.s32 $0x1;
	v8 =	vor.u32 v6, v8;
	v14 =	vld.idx.msk [tilespmem:v11+s28+$0x0], $0xffff  }
0x89: {  	v15 =	vadd.s32 s1, v0;
	v16 =	vld.idx.msk [tilespmem:v11+s11+$0x0], $0xffff  }
0x8a: {  	v17 =	vshll.u32 v15, $0x3;
	v18 =	vld.idx.msk [tilespmem:v11+s19+$0x0], $0xffff  }
0x8b: {  	v11 =	vand.u32 $0x7F, v15;
	v15 =	vand.u32 $0x400, v17;
	v17 =	vld.idx.msk [tilespmem:v12+s28+$0x0], $0xffff  }
0x8c: {  	v19 =	vld.idx.msk [tilespmem:v12+s11+$0x0], $0xffff  }
0x8d: {  	v20 =	vld.idx.msk [tilespmem:v8+s28+$0x0], $0xffff;
	v15 =	vor.u32 v11, v15  }
0x8e: {  	v23 =	vld.idx.msk [tilespmem:v8+s11+$0x0], $0xffff;
	v11 =	vor.u32 v7, v15  }
0x8f: {  	v28 =	vld.idx.msk [tilespmem:v8+s19+$0x0], $0xffff;
	v21 =	vor.u32 v4, v15  }
0x90: {  	s1 =	simm.s32 $0x2;
	v12 =	vld.idx.msk [tilespmem:v12+s19+$0x0], $0xffff  }
0x91: {  	v22 =	vimm.f32 $0.0e+00;
	v26 =	vadd.s32 s1, v0;
	v13 =	vsub.f32 v10, v13  }
0x92: {  	v27 =	vshll.u32 v26, $0x3;
	v16 =	vsub.f32 v14, v16;
	v18 =	vsub.f32 v14, v18;
	v14 =	vld.idx.msk [tilespmem:v9+s11+$0x0], $0xffff  }
0x93: {  	v25 =	vor.u32 v5, v15;
	v19 =	vsub.f32 v17, v19;
	v13 =	vmul.f32 v13, v13;
	v9 =	vld.idx.msk [tilespmem:v11+s28+$0x0], $0xffff  }
0x94: {  	v29 =	vsub.f32 v20, v23;
	v28 =	vsub.f32 v20, v28;
	v16 =	vmul.f32 v16, v16;
	v24 =	vld.idx.msk [tilespmem:v21+s11+$0x0], $0xffff  }
0x95: {  	v18 =	vmul.f32 v18, v18;
	v20 =	vld.idx.msk [tilespmem:v21+s19+$0x0], $0xffff;
	v8 =	vadd.f32 v13, v22;
	v13 =	vsub.f32 v17, v12  }
0x96: {  	v15 =	vor.u32 v6, v15;
	v12 =	vld.idx.msk [tilespmem:v11+s19+$0x0], $0xffff;
	v16 =	vadd.f32 v16, v22;
	v17 =	vmul.f32 v19, v19  }
0x97: {  	v18 =	vadd.f32 v18, v22;
	v19 =	vld.idx.msk [tilespmem:v21+s28+$0x0], $0xffff;
	v21 =	vimm.f32 $0.0e+00;
	v30 =	vmul.f32 v13, v13  }
0x98: {  	s1 =	simm.s32 $0x3;
	v23 =	vadd.f32 v17, v22;
	v17 =	vimm.f32 $0.0e+00;
	v13 =	vimm.f32 $0.0e+00  }
.LBB2_2:
0x99: {  	p0 =	sne.s32 s1, $0xFF;
	v26 =	vand.u32 $0x7F, v26;
	v27 =	vand.u32 $0x400, v27;
	v31 =	vld.idx.msk [tilespmem:v25+s28+$0x0], $0xffff;
	v10 =	vsub.f32 v10, v14  }
0x9a: {  	v14 =	vor.u32 v26, v27;
	v26 =	vld.idx.msk [tilespmem:v25+s11+$0x0], $0xffff;
	v27 =	vmul.f32 v29, v29;
	v28 =	vmul.f32 v28, v28  }
0x9b: {  	v12 =	vsub.f32 v9, v12;
	v32 =	vor.u32 v4, v14;
	v29 =	vor.u32 v7, v14;
	v33 =	vld.idx.msk [tilespmem:v25+s19+$0x0], $0xffff  }
0x9c: {  	v25 =	vor.u32 v5, v14;
	v14 =	vor.u32 v6, v14;
	v35 =	vmul.f32 v10, v10;
	v34 =	vld.idx.msk [tilespmem:v15+s28+$0x0], $0xffff  }
0x9d: {  	v22 =	vadd.f32 v30, v22;
	v24 =	vsub.f32 v19, v24;
	v12 =	vmul.f32 v12, v12;
	v36 =	vld.idx.msk [tilespmem:v15+s11+$0x0], $0xffff  }
0x9e: {  	v21 =	vadd.f32 v27, v21;
	v19 =	vsub.f32 v19, v20;
	v10 =	vmovc v9;
	v37 =	vld.idx.msk [tilespmem:v15+s19+$0x0], $0xffff;
	v15 =	vmov v14  }
0x9f: {  	v17 =	vadd.f32 v28, v17;
	v20 =	vmul.f32 v24, v24;
	v8 =	vadd.f32 v12, v8;
	v14 =	vld.idx.msk [tilespmem:v11+s11+$0x0], $0xffff  }
.Ltmp0:
0xa0: {  	v13 =	vadd.f32 v35, v13;
	v24 =	vmul.f32 v19, v19;
	v26 =	vsub.f32 v31, v26;
	v9 =	vld.idx.msk [tilespmem:v29+s28+$0x0], $0xffff;
	(pc) =	sbr.rel @p0 .LBB2_2-.Ltmp0, $4  }
0xa1: {  	v11 =	vmov v29;
	v16 =	vadd.f32 v20, v16;
	v20 =	vsub.f32 v31, v33;
	v12 =	vld.idx.msk [tilespmem:v29+s19+$0x0], $0xffff  }
0xa2: {  	v18 =	vadd.f32 v24, v18;
	v28 =	vmul.f32 v26, v26;
	v19 =	vld.idx.msk [tilespmem:v32+s28+$0x0], $0xffff  }
0xa3: {  	v26 =	vadd.s32 s1, v0;
	v30 =	vmul.f32 v20, v20;
	v29 =	vsub.f32 v34, v36;
	v24 =	vld.idx.msk [tilespmem:v32+s11+$0x0], $0xffff  }
0xa4: {  	s1 =	sadd.s32 $0x1, s1;
	v27 =	vshll.u32 v26, $0x3;
	v23 =	vadd.f32 v28, v23;
	v28 =	vsub.f32 v34, v37;
	v20 =	vld.idx.msk [tilespmem:v32+s19+$0x0], $0xffff  }
0xa5: {  	v26 =	vand.u32 $0x7F, v26;
	v27 =	vand.u32 $0x400, v27  }
0xa6: {  	v26 =	vor.u32 v26, v27  }
0xa7: {  	v27 =	vor.u32 v4, v26;
	_ =	sdelay $0x4  }
0xa8: {  	v31 =	vld.idx.msk [tilespmem:v27+s28+$0x0], $0xffff  }
0xa9: {  	v32 =	vld.idx.msk [tilespmem:v27+s11+$0x0], $0xffff;
	_ =	sdelay $0x2  }
0xaa: {  	v24 =	vsub.f32 v19, v24;
	_ =	sdelay $0x1  }
0xab: {  	v24 =	vmul.f32 v24, v24;
	v32 =	vsub.f32 v31, v32;
	_ =	sdelay $0x1  }
0xac: {  	v16 =	vadd.f32 v24, v16;
	v35 =	vmul.f32 v32, v32;
	_ =	sdelay $0x1  }
0xad: {  	v16 =	vadd.f32 v35, v16;
	_ =	sdelay $0x1  }
0xae: {  	v16 =	vadd.f32 $9.999999960e-13, v16;
	_ =	sdelay $0x1  }
0xaf: {  	v36 =	vshra.s32 v16, $0x1  }
0xb0: {  	v24 =	vadd.s32 $0x1FBD1DF5, v36  }
0xb1: {  	(erf) = vrcp.f32 v24;
	_ =	sdelay $0x8  }
0xb2: {  	v37 =	vpop (erf)  }
0xb3: {  	v32 =	vmul.f32 v37, v16;
	_ =	sdelay $0x1  }
0xb4: {  	v24 =	vadd.f32 v24, v32;
	_ =	sdelay $0x1  }
0xb5: {  	v24 =	vmul.f32 $5.000000000e-01, v24;
	_ =	sdelay $0x1  }
0xb6: {  	(erf) = vrcp.f32 v24;
	_ =	sdelay $0x8  }
0xb7: {  	v38 =	vpop (erf)  }
0xb8: {  	v32 =	vmul.f32 v38, v16;
	_ =	sdelay $0x1  }
0xb9: {  	v24 =	vadd.f32 v32, v24;
	_ =	sdelay $0x1  }
0xba: {  	v24 =	vmul.f32 $5.000000000e-01, v24;
	_ =	sdelay $0x1  }
0xbb: {  	(erf) = vrcp.f32 v24;
	_ =	sdelay $0x1  }
0xbc: {  	v27 =	vld.idx.msk [tilespmem:v27+s19+$0x0], $0xffff;
	_ =	sdelay $0x2  }
0xbd: {  	v39 =	vsub.f32 v19, v20;
	_ =	sdelay $0x1  }
0xbe: {  	v19 =	vmul.f32 v39, v39;
	v40 =	vsub.f32 v31, v27;
	_ =	sdelay $0x1  }
0xbf: {  	v18 =	vadd.f32 v19, v18;
	v41 =	vmul.f32 v40, v40;
	v42 =	vpop (erf)  }
0xc0: {  	v20 =	vmul.f32 v42, v16  }
0xc1: {  	v18 =	vadd.f32 v41, v18  }
0xc2: {  	v20 =	vadd.f32 v20, v24  }
0xc3: {  	v19 =	vadd.f32 $9.999999960e-13, v18  }
0xc4: {  	v18 =	vmul.f32 $5.000000000e-01, v20  }
0xc5: {  	v43 =	vshra.s32 v19, $0x1  }
0xc6: {  	v44 =	vadd.s32 $0x1FBD1DF5, v43;
	(erf) = vrcp.f32 v18  }
0xc7: {  	(erf) = vrcp.f32 v44;
	_ =	sdelay $0x7  }
0xc8: {  	v20 =	vpop (erf)  }
0xc9: {  	v45 =	vpop (erf)  }
0xca: {  	v27 =	vmul.f32 v45, v19;
	_ =	sdelay $0x1  }
0xcb: {  	v24 =	vadd.f32 v44, v27;
	_ =	sdelay $0x1  }
0xcc: {  	v24 =	vmul.f32 $5.000000000e-01, v24;
	_ =	sdelay $0x1  }
0xcd: {  	(erf) = vrcp.f32 v24;
	_ =	sdelay $0x8  }
0xce: {  	v46 =	vpop (erf)  }
0xcf: {  	v27 =	vmul.f32 v46, v19;
	_ =	sdelay $0x1  }
0xd0: {  	v47 =	vor.u32 v5, v26;
	v24 =	vadd.f32 v27, v24;
	_ =	sdelay $0x1  }
0xd1: {  	v24 =	vmul.f32 $5.000000000e-01, v24  }
0xd2: {  	v48 =	vld.idx.msk [tilespmem:v25+s28+$0x0], $0xffff  }
0xd3: {  	v49 =	vld.idx.msk [tilespmem:v25+s11+$0x0], $0xffff;
	(erf) = vrcp.f32 v24  }
0xd4: {  	v33 =	vld.idx.msk [tilespmem:v47+s28+$0x0], $0xffff  }
0xd5: {  	v34 =	vld.idx.msk [tilespmem:v47+s11+$0x0], $0xffff;
	_ =	sdelay $0x2  }
0xd6: {  	v27 =	vsub.f32 v48, v49;
	_ =	sdelay $0x1  }
0xd7: {  	v34 =	vsub.f32 v33, v34;
	v27 =	vmul.f32 v27, v27;
	_ =	sdelay $0x1  }
0xd8: {  	v50 =	vmul.f32 v34, v34;
	v23 =	vadd.f32 v27, v23;
	v51 =	vpop (erf)  }
0xd9: {  	v34 =	vmul.f32 v51, v19  }
0xda: {  	v23 =	vadd.f32 v50, v23  }
0xdb: {  	v24 =	vadd.f32 v34, v24  }
0xdc: {  	v23 =	vadd.f32 $9.999999960e-13, v23  }
0xdd: {  	v24 =	vmul.f32 $5.000000000e-01, v24  }
0xde: {  	v52 =	vshra.s32 v23, $0x1  }
0xdf: {  	v53 =	vadd.s32 $0x1FBD1DF5, v52;
	(erf) = vrcp.f32 v24  }
0xe0: {  	(erf) = vrcp.f32 v53;
	_ =	sdelay $0x7  }
0xe1: {  	v27 =	vpop (erf)  }
0xe2: {  	v35 =	vpop (erf)  }
0xe3: {  	v35 =	vmul.f32 v35, v23;
	_ =	sdelay $0x1  }
0xe4: {  	v34 =	vadd.f32 v53, v35;
	_ =	sdelay $0x1  }
0xe5: {  	v34 =	vmul.f32 $5.000000000e-01, v34;
	_ =	sdelay $0x1  }
0xe6: {  	(erf) = vrcp.f32 v34;
	_ =	sdelay $0x8  }
0xe7: {  	v54 =	vpop (erf)  }
0xe8: {  	v35 =	vmul.f32 v54, v23;
	_ =	sdelay $0x1  }
0xe9: {  	v34 =	vadd.f32 v35, v34;
	_ =	sdelay $0x1  }
0xea: {  	v34 =	vmul.f32 $5.000000000e-01, v34;
	_ =	sdelay $0x1  }
0xeb: {  	v55 =	vld.idx.msk [tilespmem:v25+s19+$0x0], $0xffff;
	(erf) = vrcp.f32 v34;
	_ =	sdelay $0x1  }
0xec: {  	v31 =	vld.idx.msk [tilespmem:v47+s19+$0x0], $0xffff;
	_ =	sdelay $0x2  }
0xed: {  	v25 =	vsub.f32 v48, v55;
	_ =	sdelay $0x1  }
0xee: {  	v22 =	vadd.f32 v30, v22;
	v25 =	vmul.f32 v25, v25;
	v56 =	vsub.f32 v33, v31;
	_ =	sdelay $0x1  }
0xef: {  	v22 =	vadd.f32 v25, v22;
	v57 =	vmul.f32 v56, v56;
	v58 =	vpop (erf)  }
0xf0: {  	v30 =	vmul.f32 v58, v23  }
0xf1: {  	v22 =	vadd.f32 v57, v22  }
0xf2: {  	v30 =	vadd.f32 v30, v34  }
0xf3: {  	v25 =	vadd.f32 $9.999999960e-13, v22  }
0xf4: {  	v22 =	vmul.f32 $5.000000000e-01, v30  }
0xf5: {  	v59 =	vshra.s32 v25, $0x1  }
0xf6: {  	v60 =	vadd.s32 $0x1FBD1DF5, v59;
	(erf) = vrcp.f32 v22  }
0xf7: {  	(erf) = vrcp.f32 v60;
	_ =	sdelay $0x7  }
0xf8: {  	v30 =	vpop (erf)  }
0xf9: {  	v61 =	vpop (erf)  }
0xfa: {  	v32 =	vmul.f32 v61, v25;
	_ =	sdelay $0x1  }
0xfb: {  	v31 =	vadd.f32 v60, v32;
	_ =	sdelay $0x1  }
0xfc: {  	v31 =	vmul.f32 $5.000000000e-01, v31;
	_ =	sdelay $0x1  }
0xfd: {  	(erf) = vrcp.f32 v31;
	_ =	sdelay $0x8  }
0xfe: {  	v62 =	vpop (erf)  }
0xff: {  	v32 =	vmul.f32 v62, v25;
	_ =	sdelay $0x1  }
0x100: {  	v63 =	vor.u32 v6, v26;
	v31 =	vadd.f32 v32, v31;
	_ =	sdelay $0x1  }
0x101: {  	v31 =	vmul.f32 $5.000000000e-01, v31  }
0x102: {  	v40 =	vld.idx.msk [tilespmem:v15+s28+$0x0], $0xffff  }
0x103: {  	v41 =	vld.idx.msk [tilespmem:v15+s11+$0x0], $0xffff;
	(erf) = vrcp.f32 v31  }
0x104: {  	v36 =	vld.idx.msk [tilespmem:v63+s11+$0x0], $0xffff  }
0x105: {  	v42 =	vld.idx.msk [tilespmem:v63+s28+$0x0], $0xffff;
	_ =	sdelay $0x2  }
0x106: {  	v29 =	vmul.f32 v29, v29;
	v34 =	vsub.f32 v40, v41;
	_ =	sdelay $0x1  }
0x107: {  	v21 =	vadd.f32 v29, v21;
	v44 =	vsub.f32 v42, v36;
	v43 =	vmul.f32 v34, v34;
	_ =	sdelay $0x1  }
0x108: {  	v45 =	vmul.f32 v44, v44;
	v21 =	vadd.f32 v43, v21;
	v46 =	vpop (erf)  }
0x109: {  	v34 =	vmul.f32 v46, v25  }
0x10a: {  	v21 =	vadd.f32 v45, v21  }
0x10b: {  	v47 =	vadd.f32 v34, v31  }
0x10c: {  	v21 =	vadd.f32 $9.999999960e-13, v21  }
0x10d: {  	v29 =	vmul.f32 $5.000000000e-01, v47  }
0x10e: {  	v48 =	vshra.s32 v21, $0x1  }
0x10f: {  	v31 =	vadd.s32 $0x1FBD1DF5, v48;
	(erf) = vrcp.f32 v29  }
0x110: {  	(erf) = vrcp.f32 v31;
	_ =	sdelay $0x7  }
0x111: {  	v34 =	vpop (erf)  }
0x112: {  	v49 =	vpop (erf)  }
0x113: {  	v36 =	vmul.f32 v49, v21;
	_ =	sdelay $0x1  }
0x114: {  	v31 =	vadd.f32 v31, v36;
	_ =	sdelay $0x1  }
0x115: {  	v31 =	vmul.f32 $5.000000000e-01, v31;
	_ =	sdelay $0x1  }
0x116: {  	(erf) = vrcp.f32 v31;
	_ =	sdelay $0x8  }
0x117: {  	v50 =	vpop (erf)  }
0x118: {  	v36 =	vmul.f32 v50, v21;
	_ =	sdelay $0x1  }
0x119: {  	v31 =	vadd.f32 v36, v31;
	_ =	sdelay $0x1  }
0x11a: {  	v31 =	vmul.f32 $5.000000000e-01, v31;
	_ =	sdelay $0x1  }
0x11b: {  	v51 =	vld.idx.msk [tilespmem:v15+s19+$0x0], $0xffff;
	(erf) = vrcp.f32 v31;
	_ =	sdelay $0x1  }
0x11c: {  	v33 =	vld.idx.msk [tilespmem:v63+s19+$0x0], $0xffff;
	_ =	sdelay $0x2  }
0x11d: {  	v28 =	vmul.f32 v28, v28;
	v15 =	vsub.f32 v40, v51;
	_ =	sdelay $0x1  }
0x11e: {  	v17 =	vadd.f32 v28, v17;
	v52 =	vsub.f32 v42, v33;
	v15 =	vmul.f32 v15, v15;
	_ =	sdelay $0x1  }
0x11f: {  	v15 =	vadd.f32 v15, v17;
	v53 =	vmul.f32 v52, v52;
	v54 =	vpop (erf)  }
0x120: {  	v28 =	vmul.f32 v54, v21  }
0x121: {  	v15 =	vadd.f32 v53, v15  }
0x122: {  	v55 =	vadd.f32 v28, v31  }
0x123: {  	v15 =	vadd.f32 $9.999999960e-13, v15  }
0x124: {  	v17 =	vmul.f32 $5.000000000e-01, v55  }
0x125: {  	v56 =	vshra.s32 v15, $0x1  }
0x126: {  	v28 =	vadd.s32 $0x1FBD1DF5, v56;
	(erf) = vrcp.f32 v17  }
0x127: {  	(erf) = vrcp.f32 v28;
	_ =	sdelay $0x7  }
0x128: {  	v57 =	vpop (erf)  }
0x129: {  	v58 =	vpop (erf)  }
0x12a: {  	v32 =	vmul.f32 v58, v15;
	_ =	sdelay $0x1  }
0x12b: {  	v28 =	vadd.f32 v28, v32;
	_ =	sdelay $0x1  }
0x12c: {  	v28 =	vmul.f32 $5.000000000e-01, v28;
	_ =	sdelay $0x1  }
0x12d: {  	(erf) = vrcp.f32 v28;
	_ =	sdelay $0x8  }
0x12e: {  	v59 =	vpop (erf)  }
0x12f: {  	v32 =	vmul.f32 v59, v15;
	_ =	sdelay $0x1  }
0x130: {  	v26 =	vor.u32 v7, v26;
	v28 =	vadd.f32 v32, v28;
	_ =	sdelay $0x1  }
0x131: {  	v28 =	vmul.f32 $5.000000000e-01, v28;
	_ =	sdelay $0x1  }
0x132: {  	v11 =	vld.idx.msk [tilespmem:v11+s11+$0x0], $0xffff;
	(erf) = vrcp.f32 v28  }
0x133: {  	v61 =	vld.idx.msk [tilespmem:v26+s11+$0x0], $0xffff  }
0x134: {  	v60 =	vld.idx.msk [tilespmem:v26+s28+$0x0], $0xffff  }
0x135: {  	v10 =	vsub.f32 v10, v14;
	_ =	sdelay $0x1  }
0x136: {  	v10 =	vmul.f32 v10, v10;
	v11 =	vsub.f32 v9, v11;
	_ =	sdelay $0x1  }
0x137: {  	v10 =	vadd.f32 v10, v13;
	v11 =	vmul.f32 v11, v11;
	v62 =	vsub.f32 v60, v61;
	_ =	sdelay $0x1  }
0x138: {  	v10 =	vadd.f32 v11, v10;
	v63 =	vmul.f32 v62, v62;
	v33 =	vpop (erf)  }
0x139: {  	v13 =	vmul.f32 v33, v15  }
0x13a: {  	v10 =	vadd.f32 v63, v10  }
0x13b: {  	v35 =	vadd.f32 v13, v28  }
0x13c: {  	v10 =	vadd.f32 $9.999999960e-13, v10  }
0x13d: {  	v11 =	vmul.f32 $5.000000000e-01, v35  }
0x13e: {  	v36 =	vshra.s32 v10, $0x1  }
0x13f: {  	v13 =	vadd.s32 $0x1FBD1DF5, v36;
	(erf) = vrcp.f32 v11  }
0x140: {  	(erf) = vrcp.f32 v13;
	_ =	sdelay $0x7  }
0x141: {  	v37 =	vpop (erf)  }
0x142: {  	v38 =	vpop (erf)  }
0x143: {  	v28 =	vmul.f32 v38, v10;
	_ =	sdelay $0x1  }
0x144: {  	v13 =	vadd.f32 v13, v28;
	_ =	sdelay $0x1  }
0x145: {  	v13 =	vmul.f32 $5.000000000e-01, v13;
	_ =	sdelay $0x1  }
0x146: {  	(erf) = vrcp.f32 v13;
	_ =	sdelay $0x8  }
0x147: {  	v39 =	vpop (erf)  }
0x148: {  	v28 =	vmul.f32 v39, v10;
	_ =	sdelay $0x1  }
0x149: {  	v13 =	vadd.f32 v28, v13;
	_ =	sdelay $0x1  }
0x14a: {  	v13 =	vmul.f32 $5.000000000e-01, v13;
	_ =	sdelay $0x1  }
0x14b: {  	(erf) = vrcp.f32 v13;
	_ =	sdelay $0x1  }
0x14c: {  	v26 =	vld.idx.msk [tilespmem:v26+s19+$0x0], $0xffff;
	_ =	sdelay $0x2  }
0x14d: {  	v40 =	vsub.f32 v9, v12;
	_ =	sdelay $0x1  }
0x14e: {  	v9 =	vmul.f32 v40, v40;
	v41 =	vsub.f32 v60, v26;
	_ =	sdelay $0x1  }
0x14f: {  	v8 =	vadd.f32 v9, v8;
	v42 =	vmul.f32 v41, v41;
	v43 =	vpop (erf)  }
0x150: {  	v12 =	vmul.f32 v43, v10  }
0x151: {  	v8 =	vadd.f32 v42, v8  }
0x152: {  	v44 =	vadd.f32 v12, v13  }
0x153: {  	v8 =	vadd.f32 $9.999999960e-13, v8  }
0x154: {  	v9 =	vmul.f32 $5.000000000e-01, v44  }
0x155: {  	v45 =	vshra.s32 v8, $0x1  }
0x156: {  	v12 =	vadd.s32 $0x1FBD1DF5, v45;
	(erf) = vrcp.f32 v9  }
0x157: {  	(erf) = vrcp.f32 v12;
	_ =	sdelay $0x7  }
0x158: {  	v46 =	vpop (erf)  }
0x159: {  	v47 =	vpop (erf)  }
0x15a: {  	v26 =	vmul.f32 v47, v8;
	_ =	sdelay $0x1  }
0x15b: {  	v12 =	vadd.f32 v12, v26;
	_ =	sdelay $0x1  }
0x15c: {  	v12 =	vmul.f32 $5.000000000e-01, v12;
	_ =	sdelay $0x1  }
0x15d: {  	(erf) = vrcp.f32 v12;
	_ =	sdelay $0x8  }
0x15e: {  	v48 =	vpop (erf)  }
0x15f: {  	v26 =	vmul.f32 v48, v8;
	_ =	sdelay $0x1  }
0x160: {  	v12 =	vadd.f32 v26, v12;
	_ =	sdelay $0x1  }
0x161: {  	v12 =	vmul.f32 $5.000000000e-01, v12;
	_ =	sdelay $0x1  }
0x162: {  	(erf) = vrcp.f32 v12;
	_ =	sdelay $0x8  }
0x163: {  	v49 =	vpop (erf)  }
0x164: {  	v26 =	vmul.f32 v49, v8;
	_ =	sdelay $0x1  }
0x165: {  	v12 =	vadd.f32 v26, v12;
	_ =	sdelay $0x1  }
0x166: {  	v12 =	vmul.f32 $5.000000000e-01, v12;
	_ =	sdelay $0x1  }
0x167: {  	(erf) = vrcp.f32 v12;
	_ =	sdelay $0x3  }
0x168: {  	v19 =	vmul.f32 v27, v19  }
0x169: {  	v51 =	vmul.f32 v30, v23  }
0x16a: {  	v50 =	vadd.f32 v19, v24  }
0x16b: {  	v19 =	vadd.f32 v51, v22;
	v21 =	vmul.f32 v57, v21;
	v14 =	vmul.f32 v37, v15  }
0x16c: {  	v16 =	vmul.f32 v20, v16;
	v52 =	vmul.f32 v34, v25  }
0x16d: {  	v54 =	vmul.f32 $5.000000000e-01, v19;
	v55 =	vadd.f32 v21, v17;
	v11 =	vadd.f32 v14, v11;
	v53 =	vpop (erf)  }
0x16e: {  	v20 =	vadd.f32 v52, v29;
	v10 =	vmul.f32 v46, v10;
	v8 =	vmul.f32 v53, v8  }
0x16f: {  	v16 =	vadd.f32 v16, v18;
	v58 =	vmul.f32 $5.000000000e-01, v55;
	v11 =	vmul.f32 $5.000000000e-01, v11  }
0x170: {  	v56 =	vmul.f32 $5.000000000e-01, v20;
	v9 =	vadd.f32 v10, v9;
	v8 =	vadd.f32 v8, v12  }
0x171: {  	v16 =	vmul.f32 $5.000000000e-01, v16;
	v18 =	vmul.f32 $5.000000000e-01, v50;
	v11 =	vsub.f32 v58, v11  }
0x172: {  	v13 =	vsub.f32 v54, v56;
	v9 =	vmul.f32 $5.000000000e-01, v9;
	v8 =	vmul.f32 $5.000000000e-01, v8  }
0x173: {  	v57 =	vsub.f32 v16, v18;
	v61 =	vadd.f32 $1.000000000e+00, v11  }
0x174: {  	v59 =	vadd.f32 $1.000000000e+00, v13;
	v8 =	vsub.f32 v9, v8  }
0x175: {  	v63 =	vmax.f32 v61, $0.0e+00;
	v10 =	vadd.f32 $1.000000000e+00, v57  }
0x176: {  	[tilespmem:$0xC120] =	vst v63;
	v62 =	vmax.f32 v59, $0.0e+00;
	v8 =	vadd.f32 $1.000000000e+00, v8  }
0x177: {  	[tilespmem:$0xC110] =	vst v62;
	v60 =	vmax.f32 v10, $0.0e+00  }
0x178: {  	[tilespmem:$0xC100] =	vst v60;
	v8 =	vmax.f32 v8, $0.0e+00  }
0x179: {  	[tilespmem:$0xC130] =	vst v8  }
0x17a: {  	s2 =	sadd.s32 $0x1, s2;
	_ =	strace $0x9000004A  }
0x17b: {  	p0 =	sne.s32 s2, s8;
	_ =	strace $0x8000004B  }
0x17c: {  	[hbm4b:s7+s3] =	stream.linear.scatter [tilespmem:s31], [sflag:$0x3], $0x40, $0x200038;
	[tilespmem:$0xC180] =	vst v63  }
.Ltmp1:
0x17d: {  	_ = 	snop;
	(pc) =	sbr.rel @p0 .LBB2_1-.Ltmp1, $4  }
0x17e: {  	_ =	swait.ge [sflag:s9], $0x40  }
0x17f: {  	[sflag:s9] =	ssyncset.done $0x0  }
0x180: {  	[sflag:s9] =	ssyncadd.s32 $0xFFFFFFC0  }
0x181: {  	_ =	strace $0x9000004B  }
0x182: {  	_ =	sfence.sel $0x180000  }
0x183: {  	[bflag:$0x0] =	sbarrier.arrive $0xFFFF  }
0x184: {  	_ =	strace $0x90000047  }
0x185: {  	s0 =	stileid.u32;
	[bflag:$0x2] =	sbarrier.arrive $0xFFFF  }
0x186: {  	p0 =	sne.s32 s0, $0x0;
	s0 =	rddreg [dreg:$0x3]  }
0x187: {  	s0 =	sadd.s32 @!p0 $0x100000, s0  }
0x188: {  	[sflag:s0] =	ssyncadd.tile.s32 @!p0 $0x1;
	_ =	shalt  }
.Lfunc_end2:
_tile_overlayer_lowered:
.L_overlay_start_2:
0x189: {  	(tag) =	ssettag $0x2  }
0x18a: {  	s0 =	rddreg [dreg:$0x0];
	s2 =	stileid.u32  }
0x18b: {  	s1 =	rddreg [dreg:$0x1];
	p0 =	sne.s32 s2, $0x0  }
0x18c: {  	s3 =	rddreg [dreg:$0x2];
	[bflag:$0x3] =	sbarrier.arrive $0xFFFF;
	s2 =	simm.s32 @!p0 $0x1C03  }
0x18d: {  	[timem:s3], [sflag:s2] =	dma.local @!p0 [hbm:s0], s1  }
0x18e: {  	s0 =	simm.s32 @!p0 $0x3  }
0x18f: {  	_ =	swait.ge @!p0 [sflag:s0], s1  }
0x190: {  	s1 =	ssub.s32 @!p0 $0x0, s1;
	[sflag:s0] =	ssyncset.done @!p0 $0x0  }
0x191: {  	[sflag:s0] =	ssyncadd.s32 @!p0 s1  }
0x192: {  	[bflag:$0x3] =	sbarrier.arrive $0xFFFF  }
0x193: {  	_ =	shalt  }

</sc_bundles>
